<compile_context>
chip_gen: v7x
topology: tpu7x:2x2x1
jax: 0.10.2.dev20260603
libtpu: 0.0.44.dev20260713+nightly
codegen_flags: <defaults>
</compile_context>

<pallas_src>
import functools

import jax
import jax.numpy as jnp
from jax import lax
from jax.experimental import pallas as pl
from jax.experimental.pallas import tpu as pltpu
from jax.experimental.pallas import tpu_sc as plsc

N_NODES = 10000
N_EDGES = 320000
NFEAT = 128
NHID = 128
NCLASS = 64
FH = NHID // 2

NC = 2
NS = 16
NW = NC * NS
B = 128
NBUF = 8
EPT = 20480
NB = EPT // B
E_PAD = NS * EPT
DEPT = E_PAD // NW
DNB = DEPT // B
NPAD = 10240
ROW_BLK = 128

_mesh = plsc.VectorSubcoreMesh(
    core_axis_name="c", subcore_axis_name="s", num_cores=NC, num_subcores=NS)


@functools.partial(
    pl.kernel,
    out_type=jax.ShapeDtypeStruct((NC, NPAD), jnp.float32),
    mesh=_mesh,
    scratch_types=[
        pltpu.VMEM((DNB, B), jnp.int32),
        pltpu.VMEM((B,), jnp.float32),
        [pltpu.SemaphoreType.DMA for _ in range(4)],
        pltpu.VMEM_SHARED((NPAD,), jnp.float32),
    ],
)
def _deg_kernel(dst_hbm, zeros_hbm, deg_out, idx_v, ones_v, dsems, deg_sh):
    cid = lax.axis_index("c")
    sid = lax.axis_index("s")
    wid = sid * NC + cid
    for i in range(B // 16):
        ones_v[pl.ds(16 * i, 16)] = jnp.ones((16,), jnp.float32)

    @pl.when(sid == 0)
    def _():
        pltpu.sync_copy(zeros_hbm, deg_sh)

    plsc.subcore_barrier()
    pltpu.sync_copy(dst_hbm.at[wid], idx_v)

    for j in range(4):
        pltpu.async_copy(ones_v, deg_sh.at[idx_v.at[j]], dsems[j], add=True)

    def body(b):
        for j in range(4):
            i = b + j
            pltpu.make_async_copy(ones_v, deg_sh.at[idx_v.at[i]], dsems[j]).wait()
            nxt = i + 4

            @pl.when(nxt < DNB)
            def _():
                pltpu.async_copy(ones_v, deg_sh.at[idx_v.at[nxt]], dsems[j], add=True)

    pl.loop(0, DNB, step=4)(body)
    plsc.subcore_barrier()

    @pl.when(sid == 0)
    def _():
        pltpu.sync_copy(deg_sh, deg_out.at[cid])


@functools.partial(
    pl.kernel,
    out_type=jax.ShapeDtypeStruct((NC, NPAD, FH), jnp.float32),
    mesh=_mesh,
    scratch_types=[
        pltpu.VMEM((NB, B), jnp.int32),
        [pltpu.VMEM((B,), jnp.int32) for _ in range(NBUF)],
        [pltpu.VMEM((B, FH), jnp.float32) for _ in range(NBUF)],
        [pltpu.SemaphoreType.DMA for _ in range(NBUF)],
        [pltpu.SemaphoreType.DMA for _ in range(NBUF)],
        pltpu.VMEM_SHARED((NPAD, FH), jnp.float32),
    ],
    compiler_params=pltpu.CompilerParams(use_tc_tiling_on_sc=False),
)
def _edge_kernel(src_hbm, dst_hbm, g2_hbm, zeros_hbm, acc_out,
                 src_v, dstb, rows, gsems, dsems, acc_sh):
    cid = lax.axis_index("c")
    sid = lax.axis_index("s")

    @pl.when(sid == 0)
    def _():
        pltpu.sync_copy(zeros_hbm, acc_sh)

    plsc.subcore_barrier()
    pltpu.sync_copy(src_hbm.at[sid], src_v)
    g_half = g2_hbm.at[cid]

    def issue(i, j):
        pltpu.async_copy(dst_hbm.at[sid * NB + i], dstb[j], dsems[j])
        pltpu.async_copy(g_half.at[src_v.at[i]], rows[j], gsems[j])

    for j in range(NBUF):
        issue(j, j)

    def body(b):
        for j in range(NBUF):
            i = b + j
            pltpu.make_async_copy(dst_hbm.at[sid * NB + i], dstb[j], dsems[j]).wait()
            pltpu.make_async_copy(g_half.at[src_v.at[i]], rows[j], gsems[j]).wait()
            pltpu.sync_copy(rows[j], acc_sh.at[dstb[j]], add=True)
            nxt = i + NBUF

            @pl.when(nxt < NB)
            def _():
                issue(nxt, j)

    pl.loop(0, NB, step=NBUF)(body)
    plsc.subcore_barrier()

    @pl.when(sid == 0)
    def _():
        pltpu.sync_copy(acc_sh, acc_out.at[cid])


def _dinv_eo(deg_ref):
    de = deg_ref[0, :, 0] + deg_ref[1, :, 0] + 1.0
    do = deg_ref[0, :, 1] + deg_ref[1, :, 1] + 1.0
    return (lax.rsqrt(jnp.maximum(de, 1.0)), lax.rsqrt(jnp.maximum(do, 1.0)))


def _mm_body(x_ref, deg_ref, w1_ref, g2_ref):
    dinv_e, dinv_o = _dinv_eo(deg_ref)
    he = jnp.dot(x_ref[:, 0, :], w1_ref[...], preferred_element_type=jnp.float32)
    ho = jnp.dot(x_ref[:, 1, :], w1_ref[...], preferred_element_type=jnp.float32)
    ge = he * dinv_e[:, None]
    go = ho * dinv_o[:, None]
    g2_ref[0] = jnp.concatenate([ge[:, :FH], go[:, :FH]], axis=1)
    g2_ref[1] = jnp.concatenate([ge[:, FH:], go[:, FH:]], axis=1)


def _mm_call(x_pad, deg, W1):
    blk2 = 512
    grid = (NPAD // 2) // blk2
    x3 = x_pad.reshape(NPAD // 2, 2, NFEAT)
    deg3 = deg.reshape(NC, NPAD // 2, 2)
    return pl.pallas_call(
        _mm_body,
        grid=(grid,),
        in_specs=[
            pl.BlockSpec((blk2, 2, NFEAT), lambda i: (i, 0, 0)),
            pl.BlockSpec((NC, blk2, 2), lambda i: (0, i, 0)),
            pl.BlockSpec((NFEAT, NHID), lambda i: (0, 0)),
        ],
        out_specs=pl.BlockSpec((NC, blk2, NHID), lambda i: (0, i, 0)),
        out_shape=jax.ShapeDtypeStruct((NC, NPAD // 2, NHID), jnp.float32),
    )(x3, deg3, W1)


def _lsm(logits):
    m = jnp.max(logits, axis=1, keepdims=True)
    return logits - (jnp.log(jnp.sum(jnp.exp(logits - m), axis=1, keepdims=True)) + m)


def _ep_body(acc_ref, g2_ref, deg_ref, b1_ref, w2_ref, b2_ref, out_ref):
    dinv_e, dinv_o = _dinv_eo(deg_ref)
    fe = jnp.concatenate([acc_ref[0][:, :FH] + g2_ref[0][:, :FH],
                          acc_ref[1][:, :FH] + g2_ref[1][:, :FH]], axis=1)
    fo = jnp.concatenate([acc_ref[0][:, FH:] + g2_ref[0][:, FH:],
                          acc_ref[1][:, FH:] + g2_ref[1][:, FH:]], axis=1)
    ze = dinv_e[:, None] * fe + b1_ref[0, :][None, :]
    zo = dinv_o[:, None] * fo + b1_ref[0, :][None, :]
    le = (jnp.dot(jnp.maximum(ze, 0.0), w2_ref[...],
                  preferred_element_type=jnp.float32) + b2_ref[0, :][None, :])
    lo = (jnp.dot(jnp.maximum(zo, 0.0), w2_ref[...],
                  preferred_element_type=jnp.float32) + b2_ref[0, :][None, :])
    out_ref[...] = jnp.concatenate([_lsm(le), _lsm(lo)], axis=1)


def _ep_call(acc2, g2t, deg, b1, W2, b2):
    blk2 = 512
    grid = (NPAD // 2) // blk2
    deg3 = deg.reshape(NC, NPAD // 2, 2)
    return pl.pallas_call(
        _ep_body,
        grid=(grid,),
        in_specs=[
            pl.BlockSpec((NC, blk2, NHID), lambda i: (0, i, 0)),
            pl.BlockSpec((NC, blk2, NHID), lambda i: (0, i, 0)),
            pl.BlockSpec((NC, blk2, 2), lambda i: (0, i, 0)),
            pl.BlockSpec((1, NHID), lambda i: (0, 0)),
            pl.BlockSpec((NHID, NCLASS), lambda i: (0, 0)),
            pl.BlockSpec((1, NCLASS), lambda i: (0, 0)),
        ],
        out_specs=pl.BlockSpec((blk2, 2 * NCLASS), lambda i: (i, 0)),
        out_shape=jax.ShapeDtypeStruct((N_NODES // 2, 2 * NCLASS), jnp.float32),
    )(acc2, g2t, deg3, b1, W2, b2)


def kernel(x, adj, W1, b1, W2, b2):
    src = adj[0].astype(jnp.int32)
    dst = adj[1].astype(jnp.int32)
    pad = jnp.full((E_PAD - N_EDGES,), N_NODES, dtype=jnp.int32)
    src_t = jnp.concatenate([src, pad]).reshape(NS, NB, B)
    dst_pad = jnp.concatenate([dst, pad])
    dst_deg = dst_pad.reshape(NW, DNB, B)
    dst_t2 = dst_pad.reshape(NS * NB, B)

    zeros_n = jnp.zeros((NPAD,), jnp.float32)
    zeros_nf = jnp.zeros((NPAD, FH), jnp.float32)
    x_pad = jnp.zeros((NPAD, NFEAT), jnp.float32).at[:N_NODES].set(x)

    deg = _deg_kernel(dst_deg, zeros_n)
    g2t = _mm_call(x_pad, deg, W1)
    g2 = g2t.reshape(NC, NPAD, FH)
    acc = _edge_kernel(src_t, dst_t2, g2, zeros_nf)
    acc2 = acc.reshape(NC, NPAD // 2, NHID)
    out = _ep_call(acc2, g2t, deg, b1.reshape(1, NHID), W2, b2.reshape(1, NCLASS))
    return out.reshape(N_NODES, NCLASS)

# --- scband reference (transcript-rebuilt; emitter-appended) ---
"""Pipeline reference for scband-gcn-3607772529222 (READ-ONLY COPY).

The authoritative reference and input builder live on the scoring server;
editing this copy changes nothing except your own understanding.
"""

import jax, jax.numpy as jnp
import numpy as np

N_NODES = 10000
N_EDGES = 320000
NFEAT = 128
NHID = 128
NCLASS = 64


def setup_inputs(seed: int = 0) -> dict:
    key = jax.random.key(seed)
    ks = jax.random.split(key, 6)
    x = jax.random.normal(ks[0], (N_NODES, NFEAT), dtype=jnp.float32)
    adj = jax.random.randint(ks[1], (2, N_EDGES), 0, N_NODES)
    W1 = jax.random.normal(ks[2], (NFEAT, NHID), dtype=jnp.float32) * (1.0 / np.sqrt(NFEAT))
    b1 = jnp.zeros((NHID,), dtype=jnp.float32)
    W2 = jax.random.normal(ks[3], (NHID, NCLASS), dtype=jnp.float32) * (1.0 / np.sqrt(NHID))
    b2 = jnp.zeros((NCLASS,), dtype=jnp.float32)
    return {"x": x, "adj": adj, "W1": W1, "b1": b1, "W2": W2, "b2": b2}


def _gcn_conv(x, edge_index, W, b, num_nodes):
    # PyG-style GCNConv: x' = D^{-1/2} (A + I) D^{-1/2} X W + b
    loop = jnp.arange(num_nodes, dtype=edge_index.dtype)
    src = jnp.concatenate([edge_index[0], loop])
    dst = jnp.concatenate([edge_index[1], loop])
    deg = jnp.zeros((num_nodes,), dtype=jnp.float32).at[dst].add(1.0)
    dinv = jax.lax.rsqrt(jnp.maximum(deg, 1.0))
    norm = dinv[src] * dinv[dst]
    h = x @ W
    msg = jnp.take(h, src, axis=0) * norm[:, None]
    out = jnp.zeros((num_nodes, W.shape[1]), dtype=jnp.float32).at[dst].add(msg)
    return out + b


def reference(x, adj, W1, b1, W2, b2):
    h = _gcn_conv(x, adj, W1, b1, N_NODES)
    h = jax.nn.relu(h)
    # dropout is identity in eval mode
    logits = h @ W2 + b2
    return jax.nn.log_softmax(logits, axis=1)

if __name__ == "__main__":
    import jax
    _d = setup_inputs()
    print(jax.jit(kernel)(*tuple(_d.values())))

</pallas_src>

<mosaic_0001>
#map = affine_map<(d0, d1) -> (0, 0, 0)>
#map1 = affine_map<(d0, d1) -> (0)>
#map2 = affine_map<(d0, d1) -> (0, 0)>
module attributes {stable_mosaic.version = 14 : i64} {
  func.func @_deg_kernel(%arg0: i32, %arg1: i32, %arg2: memref<32x80x128xi32, #tpu.memory_space<hbm>>, %arg3: memref<10240xf32, #tpu.memory_space<hbm>>, %arg4: memref<2x10240xf32, #tpu.memory_space<hbm>>, %arg5: memref<80x128xi32, #tpu.memory_space<vmem>>, %arg6: memref<128xf32, #tpu.memory_space<vmem>>, %arg7: memref<!tpu.dma_semaphore, #tpu.memory_space<semaphore_mem>>, %arg8: memref<!tpu.dma_semaphore, #tpu.memory_space<semaphore_mem>>, %arg9: memref<!tpu.dma_semaphore, #tpu.memory_space<semaphore_mem>>, %arg10: memref<!tpu.dma_semaphore, #tpu.memory_space<semaphore_mem>>, %arg11: memref<10240xf32, #tpu.memory_space<vmem_shared>>) attributes {dimension_semantics = [#tpu.dimension_semantics<core_parallel>, #tpu.dimension_semantics<subcore_parallel>], iteration_bounds = array<i64: 2, 16>, scalar_prefetch = 0 : i64, scratch_operands = 7 : i64, tpu.core_type = #tpu.core_type<sc_vector_subcore>, window_params = [{transform_indices = #map}, {transform_indices = #map1}, {transform_indices = #map2}]} {
    %mul3A = arith.constant 2 : i32
    %mul3A_0 = arith.muli %arg1, %mul3A : i32
    %add3A = arith.addi %mul3A_0, %arg0 : i32
    %broadcast_in_dim3A = arith.constant 1.000000e+00 : f32
    %broadcast_in_dim3A_1 = vector.broadcast %broadcast_in_dim3A : f32 to vector<16xf32>
    %swap3A = arith.constant 0 : index
    %swap3A_2 = tpu.vector_load %arg6[%swap3A] {strides = array<i32>} : memref<128xf32, #tpu.memory_space<vmem>>, vector<16xf32>,
    %swap3A_3 = vector.shape_cast %swap3A_2 : vector<16xf32> to vector<16xf32>
    %swap3A_4 = vector.shape_cast %broadcast_in_dim3A_1 : vector<16xf32> to vector<16xf32>
    tpu.vector_store %arg6[%swap3A], %swap3A_4 {strides = array<i32>} : memref<128xf32, #tpu.memory_space<vmem>>, vector<16xf32>,
    %broadcast_in_dim3A_5 = arith.constant 1.000000e+00 : f32
    %broadcast_in_dim3A_6 = vector.broadcast %broadcast_in_dim3A_5 : f32 to vector<16xf32>
    %swap3A_7 = arith.constant 16 : index
    %swap3A_8 = tpu.vector_load %arg6[%swap3A_7] {strides = array<i32>} : memref<128xf32, #tpu.memory_space<vmem>>, vector<16xf32>,
    %swap3A_9 = vector.shape_cast %swap3A_8 : vector<16xf32> to vector<16xf32>
    %swap3A_10 = vector.shape_cast %broadcast_in_dim3A_6 : vector<16xf32> to vector<16xf32>
    tpu.vector_store %arg6[%swap3A_7], %swap3A_10 {strides = array<i32>} : memref<128xf32, #tpu.memory_space<vmem>>, vector<16xf32>,
    %broadcast_in_dim3A_11 = arith.constant 1.000000e+00 : f32
    %broadcast_in_dim3A_12 = vector.broadcast %broadcast_in_dim3A_11 : f32 to vector<16xf32>
    %swap3A_13 = arith.constant 32 : index
    %swap3A_14 = tpu.vector_load %arg6[%swap3A_13] {strides = array<i32>} : memref<128xf32, #tpu.memory_space<vmem>>, vector<16xf32>,
    %swap3A_15 = vector.shape_cast %swap3A_14 : vector<16xf32> to vector<16xf32>
    %swap3A_16 = vector.shape_cast %broadcast_in_dim3A_12 : vector<16xf32> to vector<16xf32>
    tpu.vector_store %arg6[%swap3A_13], %swap3A_16 {strides = array<i32>} : memref<128xf32, #tpu.memory_space<vmem>>, vector<16xf32>,
    %broadcast_in_dim3A_17 = arith.constant 1.000000e+00 : f32
    %broadcast_in_dim3A_18 = vector.broadcast %broadcast_in_dim3A_17 : f32 to vector<16xf32>
    %swap3A_19 = arith.constant 48 : index
    %swap3A_20 = tpu.vector_load %arg6[%swap3A_19] {strides = array<i32>} : memref<128xf32, #tpu.memory_space<vmem>>, vector<16xf32>,
    %swap3A_21 = vector.shape_cast %swap3A_20 : vector<16xf32> to vector<16xf32>
    %swap3A_22 = vector.shape_cast %broadcast_in_dim3A_18 : vector<16xf32> to vector<16xf32>
    tpu.vector_store %arg6[%swap3A_19], %swap3A_22 {strides = array<i32>} : memref<128xf32, #tpu.memory_space<vmem>>, vector<16xf32>,
    %broadcast_in_dim3A_23 = arith.constant 1.000000e+00 : f32
    %broadcast_in_dim3A_24 = vector.broadcast %broadcast_in_dim3A_23 : f32 to vector<16xf32>
    %swap3A_25 = arith.constant 64 : index
    %swap3A_26 = tpu.vector_load %arg6[%swap3A_25] {strides = array<i32>} : memref<128xf32, #tpu.memory_space<vmem>>, vector<16xf32>,
    %swap3A_27 = vector.shape_cast %swap3A_26 : vector<16xf32> to vector<16xf32>
    %swap3A_28 = vector.shape_cast %broadcast_in_dim3A_24 : vector<16xf32> to vector<16xf32>
    tpu.vector_store %arg6[%swap3A_25], %swap3A_28 {strides = array<i32>} : memref<128xf32, #tpu.memory_space<vmem>>, vector<16xf32>,
    %broadcast_in_dim3A_29 = arith.constant 1.000000e+00 : f32
    %broadcast_in_dim3A_30 = vector.broadcast %broadcast_in_dim3A_29 : f32 to vector<16xf32>
    %swap3A_31 = arith.constant 80 : index
    %swap3A_32 = tpu.vector_load %arg6[%swap3A_31] {strides = array<i32>} : memref<128xf32, #tpu.memory_space<vmem>>, vector<16xf32>,
    %swap3A_33 = vector.shape_cast %swap3A_32 : vector<16xf32> to vector<16xf32>
    %swap3A_34 = vector.shape_cast %broadcast_in_dim3A_30 : vector<16xf32> to vector<16xf32>
    tpu.vector_store %arg6[%swap3A_31], %swap3A_34 {strides = array<i32>} : memref<128xf32, #tpu.memory_space<vmem>>, vector<16xf32>,
    %broadcast_in_dim3A_35 = arith.constant 1.000000e+00 : f32
    %broadcast_in_dim3A_36 = vector.broadcast %broadcast_in_dim3A_35 : f32 to vector<16xf32>
    %swap3A_37 = arith.constant 96 : index
    %swap3A_38 = tpu.vector_load %arg6[%swap3A_37] {strides = array<i32>} : memref<128xf32, #tpu.memory_space<vmem>>, vector<16xf32>,
    %swap3A_39 = vector.shape_cast %swap3A_38 : vector<16xf32> to vector<16xf32>
    %swap3A_40 = vector.shape_cast %broadcast_in_dim3A_36 : vector<16xf32> to vector<16xf32>
    tpu.vector_store %arg6[%swap3A_37], %swap3A_40 {strides = array<i32>} : memref<128xf32, #tpu.memory_space<vmem>>, vector<16xf32>,
    %broadcast_in_dim3A_41 = arith.constant 1.000000e+00 : f32
    %broadcast_in_dim3A_42 = vector.broadcast %broadcast_in_dim3A_41 : f32 to vector<16xf32>
    %swap3A_43 = arith.constant 112 : index
    %swap3A_44 = tpu.vector_load %arg6[%swap3A_43] {strides = array<i32>} : memref<128xf32, #tpu.memory_space<vmem>>, vector<16xf32>,
    %swap3A_45 = vector.shape_cast %swap3A_44 : vector<16xf32> to vector<16xf32>
    %swap3A_46 = vector.shape_cast %broadcast_in_dim3A_42 : vector<16xf32> to vector<16xf32>
    tpu.vector_store %arg6[%swap3A_43], %swap3A_46 {strides = array<i32>} : memref<128xf32, #tpu.memory_space<vmem>>, vector<16xf32>,
    %eq3A = arith.constant 0 : i32
    %eq3A_47 = arith.cmpi eq, %arg1, %eq3A : i32
    %convert_element_type3A = arith.extui %eq3A_47 : i1 to i32
    %cond3A = arith.constant 0 : i32
    %cond3A_48 = arith.cmpi ne, %convert_element_type3A, %cond3A : i32
    scf.if %cond3A_48 {
      "tpu.region"() ({
        %run_scoped3A = tpu.sem_alloc : memref<!tpu.dma_semaphore, #tpu.memory_space<semaphore_mem>>
        tpu.enqueue_dma source(%arg3 : memref<10240xf32, #tpu.memory_space<hbm>>) target(%arg11 : memref<10240xf32, #tpu.memory_space<vmem_shared>>) target_semaphore(%run_scoped3A : memref<!tpu.dma_semaphore, #tpu.memory_space<semaphore_mem>>)
        tpu.wait_dma2 semaphore(%run_scoped3A : memref<!tpu.dma_semaphore, #tpu.memory_space<semaphore_mem>>) src(%arg3 : memref<10240xf32, #tpu.memory_space<hbm>>) dst(%arg11 : memref<10240xf32, #tpu.memory_space<vmem_shared>>)
        tpu.yield
      }) : () -> ()
    } else {
    }
    %barrier3A = arith.constant 0 : index
    tpu.barrier barrier_id(%barrier3A)
    "tpu.region"() ({
      %run_scoped3A = tpu.sem_alloc : memref<!tpu.dma_semaphore, #tpu.memory_space<semaphore_mem>>
      %dma_start3A_82 = arith.constant 0 : i32
      %dma_start3A_83 = arith.constant 0 : i32
      %dma_start3A_84 = tpu.memref_slice %arg2[%add3A, %dma_start3A_82, %dma_start3A_83] : memref<32x80x128xi32, #tpu.memory_space<hbm>> -> memref<1x80x128xi32, #tpu.memory_space<hbm>>
      %dma_start3A_85 = tpu.memref_squeeze %dma_start3A_84 : memref<1x80x128xi32, #tpu.memory_space<hbm>> -> memref<80x128xi32, #tpu.memory_space<hbm>>
      %dma_start3A_86 = arith.constant 0 : i32
      %dma_start3A_87 = arith.constant 0 : i32
      %dma_start3A_88 = tpu.memref_slice %arg2[%add3A, %dma_start3A_86, %dma_start3A_87] : memref<32x80x128xi32, #tpu.memory_space<hbm>> -> memref<1x80x128xi32, #tpu.memory_space<hbm>>
      %dma_start3A_89 = tpu.memref_squeeze %dma_start3A_88 : memref<1x80x128xi32, #tpu.memory_space<hbm>> -> memref<80x128xi32, #tpu.memory_space<hbm>>
      tpu.enqueue_dma source(%dma_start3A_89 : memref<80x128xi32, #tpu.memory_space<hbm>>) target(%arg5 : memref<80x128xi32, #tpu.memory_space<vmem>>) target_semaphore(%run_scoped3A : memref<!tpu.dma_semaphore, #tpu.memory_space<semaphore_mem>>)
      %dma_wait3A = arith.constant 0 : i32
      %dma_wait3A_90 = arith.constant 0 : i32
      %dma_wait3A_91 = tpu.memref_slice %arg2[%add3A, %dma_wait3A, %dma_wait3A_90] : memref<32x80x128xi32, #tpu.memory_space<hbm>> -> memref<1x80x128xi32, #tpu.memory_space<hbm>>
      %dma_wait3A_92 = tpu.memref_squeeze %dma_wait3A_91 : memref<1x80x128xi32, #tpu.memory_space<hbm>> -> memref<80x128xi32, #tpu.memory_space<hbm>>
      %dma_wait3A_93 = arith.constant 0 : i32
      %dma_wait3A_94 = arith.constant 0 : i32
      %dma_wait3A_95 = tpu.memref_slice %arg2[%add3A, %dma_wait3A_93, %dma_wait3A_94] : memref<32x80x128xi32, #tpu.memory_space<hbm>> -> memref<1x80x128xi32, #tpu.memory_space<hbm>>
      %dma_wait3A_96 = tpu.memref_squeeze %dma_wait3A_95 : memref<1x80x128xi32, #tpu.memory_space<hbm>> -> memref<80x128xi32, #tpu.memory_space<hbm>>
      tpu.wait_dma2 semaphore(%run_scoped3A : memref<!tpu.dma_semaphore, #tpu.memory_space<semaphore_mem>>) src(%dma_wait3A_96 : memref<80x128xi32, #tpu.memory_space<hbm>>) dst(%arg5 : memref<80x128xi32, #tpu.memory_space<vmem>>)
      tpu.yield
    }) : () -> ()
    %dma_start3A = arith.constant 0 : i32
    %dma_start3A_49 = arith.constant 0 : i32
    %dma_start3A_50 = tpu.memref_slice %arg5[%dma_start3A, %dma_start3A_49] : memref<80x128xi32, #tpu.memory_space<vmem>> -> memref<1x128xi32, #tpu.memory_space<vmem>>
    %dma_start3A_51 = tpu.memref_squeeze %dma_start3A_50 : memref<1x128xi32, #tpu.memory_space<vmem>> -> memref<128xi32, #tpu.memory_space<vmem>>
    %dma_start3A_52 = arith.constant 0 : i32
    %dma_start3A_53 = tpu.memref_slice %arg11[%dma_start3A_52] : memref<10240xf32, #tpu.memory_space<vmem_shared>> -> memref<10240xf32, #tpu.memory_space<vmem_shared>>
    tpu.enqueue_indirect_dma source(%arg6 : memref<128xf32, #tpu.memory_space<vmem>>) target(%dma_start3A_53 : memref<10240xf32, #tpu.memory_space<vmem_shared>>) offsets(%dma_start3A_51 : memref<128xi32, #tpu.memory_space<vmem>>) semaphore(%arg7 : memref<!tpu.dma_semaphore, #tpu.memory_space<semaphore_mem>>) {add = true}
    %dma_start3A_54 = arith.constant 1 : i32
    %dma_start3A_55 = arith.constant 0 : i32
    %dma_start3A_56 = tpu.memref_slice %arg5[%dma_start3A_54, %dma_start3A_55] : memref<80x128xi32, #tpu.memory_space<vmem>> -> memref<1x128xi32, #tpu.memory_space<vmem>>
    %dma_start3A_57 = tpu.memref_squeeze %dma_start3A_56 : memref<1x128xi32, #tpu.memory_space<vmem>> -> memref<128xi32, #tpu.memory_space<vmem>>
    %dma_start3A_58 = arith.constant 0 : i32
    %dma_start3A_59 = tpu.memref_slice %arg11[%dma_start3A_58] : memref<10240xf32, #tpu.memory_space<vmem_shared>> -> memref<10240xf32, #tpu.memory_space<vmem_shared>>
    tpu.enqueue_indirect_dma source(%arg6 : memref<128xf32, #tpu.memory_space<vmem>>) target(%dma_start3A_59 : memref<10240xf32, #tpu.memory_space<vmem_shared>>) offsets(%dma_start3A_57 : memref<128xi32, #tpu.memory_space<vmem>>) semaphore(%arg8 : memref<!tpu.dma_semaphore, #tpu.memory_space<semaphore_mem>>) {add = true}
    %dma_start3A_60 = arith.constant 2 : i32
    %dma_start3A_61 = arith.constant 0 : i32
    %dma_start3A_62 = tpu.memref_slice %arg5[%dma_start3A_60, %dma_start3A_61] : memref<80x128xi32, #tpu.memory_space<vmem>> -> memref<1x128xi32, #tpu.memory_space<vmem>>
    %dma_start3A_63 = tpu.memref_squeeze %dma_start3A_62 : memref<1x128xi32, #tpu.memory_space<vmem>> -> memref<128xi32, #tpu.memory_space<vmem>>
    %dma_start3A_64 = arith.constant 0 : i32
    %dma_start3A_65 = tpu.memref_slice %arg11[%dma_start3A_64] : memref<10240xf32, #tpu.memory_space<vmem_shared>> -> memref<10240xf32, #tpu.memory_space<vmem_shared>>
    tpu.enqueue_indirect_dma source(%arg6 : memref<128xf32, #tpu.memory_space<vmem>>) target(%dma_start3A_65 : memref<10240xf32, #tpu.memory_space<vmem_shared>>) offsets(%dma_start3A_63 : memref<128xi32, #tpu.memory_space<vmem>>) semaphore(%arg9 : memref<!tpu.dma_semaphore, #tpu.memory_space<semaphore_mem>>) {add = true}
    %dma_start3A_66 = arith.constant 3 : i32
    %dma_start3A_67 = arith.constant 0 : i32
    %dma_start3A_68 = tpu.memref_slice %arg5[%dma_start3A_66, %dma_start3A_67] : memref<80x128xi32, #tpu.memory_space<vmem>> -> memref<1x128xi32, #tpu.memory_space<vmem>>
    %dma_start3A_69 = tpu.memref_squeeze %dma_start3A_68 : memref<1x128xi32, #tpu.memory_space<vmem>> -> memref<128xi32, #tpu.memory_space<vmem>>
    %dma_start3A_70 = arith.constant 0 : i32
    %dma_start3A_71 = tpu.memref_slice %arg11[%dma_start3A_70] : memref<10240xf32, #tpu.memory_space<vmem_shared>> -> memref<10240xf32, #tpu.memory_space<vmem_shared>>
    tpu.enqueue_indirect_dma source(%arg6 : memref<128xf32, #tpu.memory_space<vmem>>) target(%dma_start3A_71 : memref<10240xf32, #tpu.memory_space<vmem_shared>>) offsets(%dma_start3A_69 : memref<128xi32, #tpu.memory_space<vmem>>) semaphore(%arg10 : memref<!tpu.dma_semaphore, #tpu.memory_space<semaphore_mem>>) {add = true}
    %scan3A = arith.constant 0 : i32
    %scan3A_72 = arith.constant 20 : i32
    %scan3A_73 = arith.addi %scan3A, %scan3A_72 : i32
    %scan3A_74 = arith.constant 1 : i32
    scf.for %scan3A_82 = %scan3A to %scan3A_73 step %scan3A_74  : i32 {
      %mul3A_83 = arith.constant 4 : i32
      %mul3A_84 = arith.muli %scan3A_82, %mul3A_83 : i32
      %add3A_85 = arith.constant 0 : i32
      %add3A_86 = arith.addi %add3A_85, %mul3A_84 : i32
      %add3A_87 = arith.constant 0 : i32
      %add3A_88 = arith.addi %add3A_86, %add3A_87 : i32
      %dma_wait3A = arith.constant 0 : i32
      %dma_wait3A_89 = tpu.memref_slice %arg5[%add3A_88, %dma_wait3A] : memref<80x128xi32, #tpu.memory_space<vmem>> -> memref<1x128xi32, #tpu.memory_space<vmem>>
      %dma_wait3A_90 = tpu.memref_squeeze %dma_wait3A_89 : memref<1x128xi32, #tpu.memory_space<vmem>> -> memref<128xi32, #tpu.memory_space<vmem>>
      %dma_wait3A_91 = arith.constant 0 : i32
      %dma_wait3A_92 = tpu.memref_slice %arg11[%dma_wait3A_91] : memref<10240xf32, #tpu.memory_space<vmem_shared>> -> memref<10240xf32, #tpu.memory_space<vmem_shared>>
      tpu.wait_indirect_dma semaphore(%arg7 : memref<!tpu.dma_semaphore, #tpu.memory_space<semaphore_mem>>) src(%arg6 : memref<128xf32, #tpu.memory_space<vmem>>) dst(%dma_wait3A_92 : memref<10240xf32, #tpu.memory_space<vmem_shared>>)
      %add3A_93 = arith.constant 4 : i32
      %add3A_94 = arith.addi %add3A_88, %add3A_93 : i32
      %lt3A = arith.constant 80 : i32
      %lt3A_95 = arith.cmpi slt, %add3A_94, %lt3A : i32
      %convert_element_type3A_96 = arith.extui %lt3A_95 : i1 to i32
      %cond3A_97 = arith.constant 0 : i32
      %cond3A_98 = arith.cmpi ne, %convert_element_type3A_96, %cond3A_97 : i32
      scf.if %cond3A_98 {
        %dma_start3A_141 = arith.constant 0 : i32
        %dma_start3A_142 = tpu.memref_slice %arg5[%add3A_94, %dma_start3A_141] : memref<80x128xi32, #tpu.memory_space<vmem>> -> memref<1x128xi32, #tpu.memory_space<vmem>>
        %dma_start3A_143 = tpu.memref_squeeze %dma_start3A_142 : memref<1x128xi32, #tpu.memory_space<vmem>> -> memref<128xi32, #tpu.memory_space<vmem>>
        %dma_start3A_144 = arith.constant 0 : i32
        %dma_start3A_145 = tpu.memref_slice %arg11[%dma_start3A_144] : memref<10240xf32, #tpu.memory_space<vmem_shared>> -> memref<10240xf32, #tpu.memory_space<vmem_shared>>
        tpu.enqueue_indirect_dma source(%arg6 : memref<128xf32, #tpu.memory_space<vmem>>) target(%dma_start3A_145 : memref<10240xf32, #tpu.memory_space<vmem_shared>>) offsets(%dma_start3A_143 : memref<128xi32, #tpu.memory_space<vmem>>) semaphore(%arg7 : memref<!tpu.dma_semaphore, #tpu.memory_space<semaphore_mem>>) {add = true}
      } else {
      }
      %add3A_99 = arith.constant 1 : i32
      %add3A_100 = arith.addi %add3A_86, %add3A_99 : i32
      %dma_wait3A_101 = arith.constant 0 : i32
      %dma_wait3A_102 = tpu.memref_slice %arg5[%add3A_100, %dma_wait3A_101] : memref<80x128xi32, #tpu.memory_space<vmem>> -> memref<1x128xi32, #tpu.memory_space<vmem>>
      %dma_wait3A_103 = tpu.memref_squeeze %dma_wait3A_102 : memref<1x128xi32, #tpu.memory_space<vmem>> -> memref<128xi32, #tpu.memory_space<vmem>>
      %dma_wait3A_104 = arith.constant 0 : i32
      %dma_wait3A_105 = tpu.memref_slice %arg11[%dma_wait3A_104] : memref<10240xf32, #tpu.memory_space<vmem_shared>> -> memref<10240xf32, #tpu.memory_space<vmem_shared>>
      tpu.wait_indirect_dma semaphore(%arg8 : memref<!tpu.dma_semaphore, #tpu.memory_space<semaphore_mem>>) src(%arg6 : memref<128xf32, #tpu.memory_space<vmem>>) dst(%dma_wait3A_105 : memref<10240xf32, #tpu.memory_space<vmem_shared>>)
      %add3A_106 = arith.constant 4 : i32
      %add3A_107 = arith.addi %add3A_100, %add3A_106 : i32
      %lt3A_108 = arith.constant 80 : i32
      %lt3A_109 = arith.cmpi slt, %add3A_107, %lt3A_108 : i32
      %convert_element_type3A_110 = arith.extui %lt3A_109 : i1 to i32
      %cond3A_111 = arith.constant 0 : i32
      %cond3A_112 = arith.cmpi ne, %convert_element_type3A_110, %cond3A_111 : i32
      scf.if %cond3A_112 {
        %dma_start3A_141 = arith.constant 0 : i32
        %dma_start3A_142 = tpu.memref_slice %arg5[%add3A_107, %dma_start3A_141] : memref<80x128xi32, #tpu.memory_space<vmem>> -> memref<1x128xi32, #tpu.memory_space<vmem>>
        %dma_start3A_143 = tpu.memref_squeeze %dma_start3A_142 : memref<1x128xi32, #tpu.memory_space<vmem>> -> memref<128xi32, #tpu.memory_space<vmem>>
        %dma_start3A_144 = arith.constant 0 : i32
        %dma_start3A_145 = tpu.memref_slice %arg11[%dma_start3A_144] : memref<10240xf32, #tpu.memory_space<vmem_shared>> -> memref<10240xf32, #tpu.memory_space<vmem_shared>>
        tpu.enqueue_indirect_dma source(%arg6 : memref<128xf32, #tpu.memory_space<vmem>>) target(%dma_start3A_145 : memref<10240xf32, #tpu.memory_space<vmem_shared>>) offsets(%dma_start3A_143 : memref<128xi32, #tpu.memory_space<vmem>>) semaphore(%arg8 : memref<!tpu.dma_semaphore, #tpu.memory_space<semaphore_mem>>) {add = true}
      } else {
      }
      %add3A_113 = arith.constant 2 : i32
      %add3A_114 = arith.addi %add3A_86, %add3A_113 : i32
      %dma_wait3A_115 = arith.constant 0 : i32
      %dma_wait3A_116 = tpu.memref_slice %arg5[%add3A_114, %dma_wait3A_115] : memref<80x128xi32, #tpu.memory_space<vmem>> -> memref<1x128xi32, #tpu.memory_space<vmem>>
      %dma_wait3A_117 = tpu.memref_squeeze %dma_wait3A_116 : memref<1x128xi32, #tpu.memory_space<vmem>> -> memref<128xi32, #tpu.memory_space<vmem>>
      %dma_wait3A_118 = arith.constant 0 : i32
      %dma_wait3A_119 = tpu.memref_slice %arg11[%dma_wait3A_118] : memref<10240xf32, #tpu.memory_space<vmem_shared>> -> memref<10240xf32, #tpu.memory_space<vmem_shared>>
      tpu.wait_indirect_dma semaphore(%arg9 : memref<!tpu.dma_semaphore, #tpu.memory_space<semaphore_mem>>) src(%arg6 : memref<128xf32, #tpu.memory_space<vmem>>) dst(%dma_wait3A_119 : memref<10240xf32, #tpu.memory_space<vmem_shared>>)
      %add3A_120 = arith.constant 4 : i32
      %add3A_121 = arith.addi %add3A_114, %add3A_120 : i32
      %lt3A_122 = arith.constant 80 : i32
      %lt3A_123 = arith.cmpi slt, %add3A_121, %lt3A_122 : i32
      %convert_element_type3A_124 = arith.extui %lt3A_123 : i1 to i32
      %cond3A_125 = arith.constant 0 : i32
      %cond3A_126 = arith.cmpi ne, %convert_element_type3A_124, %cond3A_125 : i32
      scf.if %cond3A_126 {
        %dma_start3A_141 = arith.constant 0 : i32
        %dma_start3A_142 = tpu.memref_slice %arg5[%add3A_121, %dma_start3A_141] : memref<80x128xi32, #tpu.memory_space<vmem>> -> memref<1x128xi32, #tpu.memory_space<vmem>>
        %dma_start3A_143 = tpu.memref_squeeze %dma_start3A_142 : memref<1x128xi32, #tpu.memory_space<vmem>> -> memref<128xi32, #tpu.memory_space<vmem>>
        %dma_start3A_144 = arith.constant 0 : i32
        %dma_start3A_145 = tpu.memref_slice %arg11[%dma_start3A_144] : memref<10240xf32, #tpu.memory_space<vmem_shared>> -> memref<10240xf32, #tpu.memory_space<vmem_shared>>
        tpu.enqueue_indirect_dma source(%arg6 : memref<128xf32, #tpu.memory_space<vmem>>) target(%dma_start3A_145 : memref<10240xf32, #tpu.memory_space<vmem_shared>>) offsets(%dma_start3A_143 : memref<128xi32, #tpu.memory_space<vmem>>) semaphore(%arg9 : memref<!tpu.dma_semaphore, #tpu.memory_space<semaphore_mem>>) {add = true}
      } else {
      }
      %add3A_127 = arith.constant 3 : i32
      %add3A_128 = arith.addi %add3A_86, %add3A_127 : i32
      %dma_wait3A_129 = arith.constant 0 : i32
      %dma_wait3A_130 = tpu.memref_slice %arg5[%add3A_128, %dma_wait3A_129] : memref<80x128xi32, #tpu.memory_space<vmem>> -> memref<1x128xi32, #tpu.memory_space<vmem>>
      %dma_wait3A_131 = tpu.memref_squeeze %dma_wait3A_130 : memref<1x128xi32, #tpu.memory_space<vmem>> -> memref<128xi32, #tpu.memory_space<vmem>>
      %dma_wait3A_132 = arith.constant 0 : i32
      %dma_wait3A_133 = tpu.memref_slice %arg11[%dma_wait3A_132] : memref<10240xf32, #tpu.memory_space<vmem_shared>> -> memref<10240xf32, #tpu.memory_space<vmem_shared>>
      tpu.wait_indirect_dma semaphore(%arg10 : memref<!tpu.dma_semaphore, #tpu.memory_space<semaphore_mem>>) src(%arg6 : memref<128xf32, #tpu.memory_space<vmem>>) dst(%dma_wait3A_133 : memref<10240xf32, #tpu.memory_space<vmem_shared>>)
      %add3A_134 = arith.constant 4 : i32
      %add3A_135 = arith.addi %add3A_128, %add3A_134 : i32
      %lt3A_136 = arith.constant 80 : i32
      %lt3A_137 = arith.cmpi slt, %add3A_135, %lt3A_136 : i32
      %convert_element_type3A_138 = arith.extui %lt3A_137 : i1 to i32
      %cond3A_139 = arith.constant 0 : i32
      %cond3A_140 = arith.cmpi ne, %convert_element_type3A_138, %cond3A_139 : i32
      scf.if %cond3A_140 {
        %dma_start3A_141 = arith.constant 0 : i32
        %dma_start3A_142 = tpu.memref_slice %arg5[%add3A_135, %dma_start3A_141] : memref<80x128xi32, #tpu.memory_space<vmem>> -> memref<1x128xi32, #tpu.memory_space<vmem>>
        %dma_start3A_143 = tpu.memref_squeeze %dma_start3A_142 : memref<1x128xi32, #tpu.memory_space<vmem>> -> memref<128xi32, #tpu.memory_space<vmem>>
        %dma_start3A_144 = arith.constant 0 : i32
        %dma_start3A_145 = tpu.memref_slice %arg11[%dma_start3A_144] : memref<10240xf32, #tpu.memory_space<vmem_shared>> -> memref<10240xf32, #tpu.memory_space<vmem_shared>>
        tpu.enqueue_indirect_dma source(%arg6 : memref<128xf32, #tpu.memory_space<vmem>>) target(%dma_start3A_145 : memref<10240xf32, #tpu.memory_space<vmem_shared>>) offsets(%dma_start3A_143 : memref<128xi32, #tpu.memory_space<vmem>>) semaphore(%arg10 : memref<!tpu.dma_semaphore, #tpu.memory_space<semaphore_mem>>) {add = true}
      } else {
      }
    }
    %scan3A_75 = arith.constant 20 : i32
    %barrier3A_76 = arith.constant 0 : index
    tpu.barrier barrier_id(%barrier3A_76)
    %eq3A_77 = arith.constant 0 : i32
    %eq3A_78 = arith.cmpi eq, %arg1, %eq3A_77 : i32
    %convert_element_type3A_79 = arith.extui %eq3A_78 : i1 to i32
    %cond3A_80 = arith.constant 0 : i32
    %cond3A_81 = arith.cmpi ne, %convert_element_type3A_79, %cond3A_80 : i32
    scf.if %cond3A_81 {
      "tpu.region"() ({
        %run_scoped3A = tpu.sem_alloc : memref<!tpu.dma_semaphore, #tpu.memory_space<semaphore_mem>>
        %dma_start3A_82 = arith.constant 0 : i32
        %dma_start3A_83 = tpu.memref_slice %arg4[%arg0, %dma_start3A_82] : memref<2x10240xf32, #tpu.memory_space<hbm>> -> memref<1x10240xf32, #tpu.memory_space<hbm>>
        %dma_start3A_84 = tpu.memref_squeeze %dma_start3A_83 : memref<1x10240xf32, #tpu.memory_space<hbm>> -> memref<10240xf32, #tpu.memory_space<hbm>>
        tpu.enqueue_dma source(%arg11 : memref<10240xf32, #tpu.memory_space<vmem_shared>>) target(%dma_start3A_84 : memref<10240xf32, #tpu.memory_space<hbm>>) target_semaphore(%run_scoped3A : memref<!tpu.dma_semaphore, #tpu.memory_space<semaphore_mem>>)
        %dma_wait3A = arith.constant 0 : i32
        %dma_wait3A_85 = tpu.memref_slice %arg4[%arg0, %dma_wait3A] : memref<2x10240xf32, #tpu.memory_space<hbm>> -> memref<1x10240xf32, #tpu.memory_space<hbm>>
        %dma_wait3A_86 = tpu.memref_squeeze %dma_wait3A_85 : memref<1x10240xf32, #tpu.memory_space<hbm>> -> memref<10240xf32, #tpu.memory_space<hbm>>
        tpu.wait_dma2 semaphore(%run_scoped3A : memref<!tpu.dma_semaphore, #tpu.memory_space<semaphore_mem>>) src(%arg11 : memref<10240xf32, #tpu.memory_space<vmem_shared>>) dst(%dma_wait3A_86 : memref<10240xf32, #tpu.memory_space<hbm>>)
        tpu.yield
      }) : () -> ()
    } else {
    }
    return
  }
}

#map = affine_map<(d0, d1) -> (0, 0, 0)>
#map1 = affine_map<(d0, d1) -> (0, 0)>
module attributes {stable_mosaic.version = 14 : i64} {
  func.func @_edge_kernel(%arg0: i32, %arg1: i32, %arg2: memref<16x160x128xi32, #tpu.memory_space<hbm>>, %arg3: memref<2560x128xi32, #tpu.memory_space<hbm>>, %arg4: memref<2x10240x64xf32, #tpu.memory_space<hbm>>, %arg5: memref<10240x64xf32, #tpu.memory_space<hbm>>, %arg6: memref<2x10240x64xf32, #tpu.memory_space<hbm>>, %arg7: memref<160x128xi32, #tpu.memory_space<vmem>>, %arg8: memref<128xi32, #tpu.memory_space<vmem>>, %arg9: memref<128xi32, #tpu.memory_space<vmem>>, %arg10: memref<128xi32, #tpu.memory_space<vmem>>, %arg11: memref<128xi32, #tpu.memory_space<vmem>>, %arg12: memref<128xi32, #tpu.memory_space<vmem>>, %arg13: memref<128xi32, #tpu.memory_space<vmem>>, %arg14: memref<128xi32, #tpu.memory_space<vmem>>, %arg15: memref<128xi32, #tpu.memory_space<vmem>>, %arg16: memref<128x64xf32, #tpu.memory_space<vmem>>, %arg17: memref<128x64xf32, #tpu.memory_space<vmem>>, %arg18: memref<128x64xf32, #tpu.memory_space<vmem>>, %arg19: memref<128x64xf32, #tpu.memory_space<vmem>>, %arg20: memref<128x64xf32, #tpu.memory_space<vmem>>, %arg21: memref<128x64xf32, #tpu.memory_space<vmem>>, %arg22: memref<128x64xf32, #tpu.memory_space<vmem>>, %arg23: memref<128x64xf32, #tpu.memory_space<vmem>>, %arg24: memref<!tpu.dma_semaphore, #tpu.memory_space<semaphore_mem>>, %arg25: memref<!tpu.dma_semaphore, #tpu.memory_space<semaphore_mem>>, %arg26: memref<!tpu.dma_semaphore, #tpu.memory_space<semaphore_mem>>, %arg27: memref<!tpu.dma_semaphore, #tpu.memory_space<semaphore_mem>>, %arg28: memref<!tpu.dma_semaphore, #tpu.memory_space<semaphore_mem>>, %arg29: memref<!tpu.dma_semaphore, #tpu.memory_space<semaphore_mem>>, %arg30: memref<!tpu.dma_semaphore, #tpu.memory_space<semaphore_mem>>, %arg31: memref<!tpu.dma_semaphore, #tpu.memory_space<semaphore_mem>>, %arg32: memref<!tpu.dma_semaphore, #tpu.memory_space<semaphore_mem>>, %arg33: memref<!tpu.dma_semaphore, #tpu.memory_space<semaphore_mem>>, %arg34: memref<!tpu.dma_semaphore, #tpu.memory_space<semaphore_mem>>, %arg35: memref<!tpu.dma_semaphore, #tpu.memory_space<semaphore_mem>>, %arg36: memref<!tpu.dma_semaphore, #tpu.memory_space<semaphore_mem>>, %arg37: memref<!tpu.dma_semaphore, #tpu.memory_space<semaphore_mem>>, %arg38: memref<!tpu.dma_semaphore, #tpu.memory_space<semaphore_mem>>, %arg39: memref<!tpu.dma_semaphore, #tpu.memory_space<semaphore_mem>>, %arg40: memref<10240x64xf32, #tpu.memory_space<vmem_shared>>) attributes {dimension_semantics = [#tpu.dimension_semantics<core_parallel>, #tpu.dimension_semantics<subcore_parallel>], iteration_bounds = array<i64: 2, 16>, scalar_prefetch = 0 : i64, scratch_operands = 34 : i64, tpu.core_type = #tpu.core_type<sc_vector_subcore>, window_params = [{transform_indices = #map}, {transform_indices = #map1}, {transform_indices = #map}, {transform_indices = #map1}, {transform_indices = #map}]} {
    %eq3A = arith.constant 0 : i32
    %eq3A_0 = arith.cmpi eq, %arg1, %eq3A : i32
    %convert_element_type3A = arith.extui %eq3A_0 : i1 to i32
    %cond3A = arith.constant 0 : i32
    %cond3A_1 = arith.cmpi ne, %convert_element_type3A, %cond3A : i32
    scf.if %cond3A_1 {
      "tpu.region"() ({
        %run_scoped3A = tpu.sem_alloc : memref<!tpu.dma_semaphore, #tpu.memory_space<semaphore_mem>>
        tpu.enqueue_dma source(%arg5 : memref<10240x64xf32, #tpu.memory_space<hbm>>) target(%arg40 : memref<10240x64xf32, #tpu.memory_space<vmem_shared>>) target_semaphore(%run_scoped3A : memref<!tpu.dma_semaphore, #tpu.memory_space<semaphore_mem>>)
        tpu.wait_dma2 semaphore(%run_scoped3A : memref<!tpu.dma_semaphore, #tpu.memory_space<semaphore_mem>>) src(%arg5 : memref<10240x64xf32, #tpu.memory_space<hbm>>) dst(%arg40 : memref<10240x64xf32, #tpu.memory_space<vmem_shared>>)
        tpu.yield
      }) : () -> ()
    } else {
    }
    %barrier3A = arith.constant 0 : index
    tpu.barrier barrier_id(%barrier3A)
    "tpu.region"() ({
      %run_scoped3A = tpu.sem_alloc : memref<!tpu.dma_semaphore, #tpu.memory_space<semaphore_mem>>
      %dma_start3A_177 = arith.constant 0 : i32
      %dma_start3A_178 = arith.constant 0 : i32
      %dma_start3A_179 = tpu.memref_slice %arg2[%arg1, %dma_start3A_177, %dma_start3A_178] : memref<16x160x128xi32, #tpu.memory_space<hbm>> -> memref<1x160x128xi32, #tpu.memory_space<hbm>>
      %dma_start3A_180 = tpu.memref_squeeze %dma_start3A_179 : memref<1x160x128xi32, #tpu.memory_space<hbm>> -> memref<160x128xi32, #tpu.memory_space<hbm>>
      %dma_start3A_181 = arith.constant 0 : i32
      %dma_start3A_182 = arith.constant 0 : i32
      %dma_start3A_183 = tpu.memref_slice %arg2[%arg1, %dma_start3A_181, %dma_start3A_182] : memref<16x160x128xi32, #tpu.memory_space<hbm>> -> memref<1x160x128xi32, #tpu.memory_space<hbm>>
      %dma_start3A_184 = tpu.memref_squeeze %dma_start3A_183 : memref<1x160x128xi32, #tpu.memory_space<hbm>> -> memref<160x128xi32, #tpu.memory_space<hbm>>
      tpu.enqueue_dma source(%dma_start3A_184 : memref<160x128xi32, #tpu.memory_space<hbm>>) target(%arg7 : memref<160x128xi32, #tpu.memory_space<vmem>>) target_semaphore(%run_scoped3A : memref<!tpu.dma_semaphore, #tpu.memory_space<semaphore_mem>>)
      %dma_wait3A = arith.constant 0 : i32
      %dma_wait3A_185 = arith.constant 0 : i32
      %dma_wait3A_186 = tpu.memref_slice %arg2[%arg1, %dma_wait3A, %dma_wait3A_185] : memref<16x160x128xi32, #tpu.memory_space<hbm>> -> memref<1x160x128xi32, #tpu.memory_space<hbm>>
      %dma_wait3A_187 = tpu.memref_squeeze %dma_wait3A_186 : memref<1x160x128xi32, #tpu.memory_space<hbm>> -> memref<160x128xi32, #tpu.memory_space<hbm>>
      %dma_wait3A_188 = arith.constant 0 : i32
      %dma_wait3A_189 = arith.constant 0 : i32
      %dma_wait3A_190 = tpu.memref_slice %arg2[%arg1, %dma_wait3A_188, %dma_wait3A_189] : memref<16x160x128xi32, #tpu.memory_space<hbm>> -> memref<1x160x128xi32, #tpu.memory_space<hbm>>
      %dma_wait3A_191 = tpu.memref_squeeze %dma_wait3A_190 : memref<1x160x128xi32, #tpu.memory_space<hbm>> -> memref<160x128xi32, #tpu.memory_space<hbm>>
      tpu.wait_dma2 semaphore(%run_scoped3A : memref<!tpu.dma_semaphore, #tpu.memory_space<semaphore_mem>>) src(%dma_wait3A_191 : memref<160x128xi32, #tpu.memory_space<hbm>>) dst(%arg7 : memref<160x128xi32, #tpu.memory_space<vmem>>)
      tpu.yield
    }) : () -> ()
    %mul3A = arith.constant 160 : i32
    %mul3A_2 = arith.muli %arg1, %mul3A : i32
    %add3A = arith.constant 0 : i32
    %add3A_3 = arith.addi %mul3A_2, %add3A : i32
    %dma_start3A = arith.constant 0 : i32
    %dma_start3A_4 = tpu.memref_slice %arg3[%add3A_3, %dma_start3A] : memref<2560x128xi32, #tpu.memory_space<hbm>> -> memref<1x128xi32, #tpu.memory_space<hbm>>
    %dma_start3A_5 = tpu.memref_squeeze %dma_start3A_4 : memref<1x128xi32, #tpu.memory_space<hbm>> -> memref<128xi32, #tpu.memory_space<hbm>>
    %dma_start3A_6 = arith.constant 0 : i32
    %dma_start3A_7 = tpu.memref_slice %arg3[%add3A_3, %dma_start3A_6] : memref<2560x128xi32, #tpu.memory_space<hbm>> -> memref<1x128xi32, #tpu.memory_space<hbm>>
    %dma_start3A_8 = tpu.memref_squeeze %dma_start3A_7 : memref<1x128xi32, #tpu.memory_space<hbm>> -> memref<128xi32, #tpu.memory_space<hbm>>
    tpu.enqueue_dma source(%dma_start3A_8 : memref<128xi32, #tpu.memory_space<hbm>>) target(%arg8 : memref<128xi32, #tpu.memory_space<vmem>>) target_semaphore(%arg32 : memref<!tpu.dma_semaphore, #tpu.memory_space<semaphore_mem>>)
    %dma_start3A_9 = arith.constant 0 : i32
    %dma_start3A_10 = arith.constant 0 : i32
    %dma_start3A_11 = tpu.memref_slice %arg7[%dma_start3A_9, %dma_start3A_10] : memref<160x128xi32, #tpu.memory_space<vmem>> -> memref<1x128xi32, #tpu.memory_space<vmem>>
    %dma_start3A_12 = tpu.memref_squeeze %dma_start3A_11 : memref<1x128xi32, #tpu.memory_space<vmem>> -> memref<128xi32, #tpu.memory_space<vmem>>
    %dma_start3A_13 = arith.constant 0 : i32
    %dma_start3A_14 = arith.constant 0 : i32
    %dma_start3A_15 = tpu.memref_slice %arg4[%arg0, %dma_start3A_13, %dma_start3A_14] : memref<2x10240x64xf32, #tpu.memory_space<hbm>> -> memref<1x10240x64xf32, #tpu.memory_space<hbm>>
    %dma_start3A_16 = tpu.memref_squeeze %dma_start3A_15 : memref<1x10240x64xf32, #tpu.memory_space<hbm>> -> memref<10240x64xf32, #tpu.memory_space<hbm>>
    %dma_start3A_17 = arith.constant 0 : i32
    %dma_start3A_18 = arith.constant 0 : i32
    %dma_start3A_19 = tpu.memref_slice %dma_start3A_16[%dma_start3A_17, %dma_start3A_18] : memref<10240x64xf32, #tpu.memory_space<hbm>> -> memref<10240x64xf32, #tpu.memory_space<hbm>>
    tpu.enqueue_indirect_dma source(%dma_start3A_19 : memref<10240x64xf32, #tpu.memory_space<hbm>>) target(%arg16 : memref<128x64xf32, #tpu.memory_space<vmem>>) offsets(%dma_start3A_12 : memref<128xi32, #tpu.memory_space<vmem>>) semaphore(%arg24 : memref<!tpu.dma_semaphore, #tpu.memory_space<semaphore_mem>>)
    %mul3A_20 = arith.constant 160 : i32
    %mul3A_21 = arith.muli %arg1, %mul3A_20 : i32
    %add3A_22 = arith.constant 1 : i32
    %add3A_23 = arith.addi %mul3A_21, %add3A_22 : i32
    %dma_start3A_24 = arith.constant 0 : i32
    %dma_start3A_25 = tpu.memref_slice %arg3[%add3A_23, %dma_start3A_24] : memref<2560x128xi32, #tpu.memory_space<hbm>> -> memref<1x128xi32, #tpu.memory_space<hbm>>
    %dma_start3A_26 = tpu.memref_squeeze %dma_start3A_25 : memref<1x128xi32, #tpu.memory_space<hbm>> -> memref<128xi32, #tpu.memory_space<hbm>>
    %dma_start3A_27 = arith.constant 0 : i32
    %dma_start3A_28 = tpu.memref_slice %arg3[%add3A_23, %dma_start3A_27] : memref<2560x128xi32, #tpu.memory_space<hbm>> -> memref<1x128xi32, #tpu.memory_space<hbm>>
    %dma_start3A_29 = tpu.memref_squeeze %dma_start3A_28 : memref<1x128xi32, #tpu.memory_space<hbm>> -> memref<128xi32, #tpu.memory_space<hbm>>
    tpu.enqueue_dma source(%dma_start3A_29 : memref<128xi32, #tpu.memory_space<hbm>>) target(%arg9 : memref<128xi32, #tpu.memory_space<vmem>>) target_semaphore(%arg33 : memref<!tpu.dma_semaphore, #tpu.memory_space<semaphore_mem>>)
    %dma_start3A_30 = arith.constant 1 : i32
    %dma_start3A_31 = arith.constant 0 : i32
    %dma_start3A_32 = tpu.memref_slice %arg7[%dma_start3A_30, %dma_start3A_31] : memref<160x128xi32, #tpu.memory_space<vmem>> -> memref<1x128xi32, #tpu.memory_space<vmem>>
    %dma_start3A_33 = tpu.memref_squeeze %dma_start3A_32 : memref<1x128xi32, #tpu.memory_space<vmem>> -> memref<128xi32, #tpu.memory_space<vmem>>
    %dma_start3A_34 = arith.constant 0 : i32
    %dma_start3A_35 = arith.constant 0 : i32
    %dma_start3A_36 = tpu.memref_slice %arg4[%arg0, %dma_start3A_34, %dma_start3A_35] : memref<2x10240x64xf32, #tpu.memory_space<hbm>> -> memref<1x10240x64xf32, #tpu.memory_space<hbm>>
    %dma_start3A_37 = tpu.memref_squeeze %dma_start3A_36 : memref<1x10240x64xf32, #tpu.memory_space<hbm>> -> memref<10240x64xf32, #tpu.memory_space<hbm>>
    %dma_start3A_38 = arith.constant 0 : i32
    %dma_start3A_39 = arith.constant 0 : i32
    %dma_start3A_40 = tpu.memref_slice %dma_start3A_37[%dma_start3A_38, %dma_start3A_39] : memref<10240x64xf32, #tpu.memory_space<hbm>> -> memref<10240x64xf32, #tpu.memory_space<hbm>>
    tpu.enqueue_indirect_dma source(%dma_start3A_40 : memref<10240x64xf32, #tpu.memory_space<hbm>>) target(%arg17 : memref<128x64xf32, #tpu.memory_space<vmem>>) offsets(%dma_start3A_33 : memref<128xi32, #tpu.memory_space<vmem>>) semaphore(%arg25 : memref<!tpu.dma_semaphore, #tpu.memory_space<semaphore_mem>>)
    %mul3A_41 = arith.constant 160 : i32
    %mul3A_42 = arith.muli %arg1, %mul3A_41 : i32
    %add3A_43 = arith.constant 2 : i32
    %add3A_44 = arith.addi %mul3A_42, %add3A_43 : i32
    %dma_start3A_45 = arith.constant 0 : i32
    %dma_start3A_46 = tpu.memref_slice %arg3[%add3A_44, %dma_start3A_45] : memref<2560x128xi32, #tpu.memory_space<hbm>> -> memref<1x128xi32, #tpu.memory_space<hbm>>
    %dma_start3A_47 = tpu.memref_squeeze %dma_start3A_46 : memref<1x128xi32, #tpu.memory_space<hbm>> -> memref<128xi32, #tpu.memory_space<hbm>>
    %dma_start3A_48 = arith.constant 0 : i32
    %dma_start3A_49 = tpu.memref_slice %arg3[%add3A_44, %dma_start3A_48] : memref<2560x128xi32, #tpu.memory_space<hbm>> -> memref<1x128xi32, #tpu.memory_space<hbm>>
    %dma_start3A_50 = tpu.memref_squeeze %dma_start3A_49 : memref<1x128xi32, #tpu.memory_space<hbm>> -> memref<128xi32, #tpu.memory_space<hbm>>
    tpu.enqueue_dma source(%dma_start3A_50 : memref<128xi32, #tpu.memory_space<hbm>>) target(%arg10 : memref<128xi32, #tpu.memory_space<vmem>>) target_semaphore(%arg34 : memref<!tpu.dma_semaphore, #tpu.memory_space<semaphore_mem>>)
    %dma_start3A_51 = arith.constant 2 : i32
    %dma_start3A_52 = arith.constant 0 : i32
    %dma_start3A_53 = tpu.memref_slice %arg7[%dma_start3A_51, %dma_start3A_52] : memref<160x128xi32, #tpu.memory_space<vmem>> -> memref<1x128xi32, #tpu.memory_space<vmem>>
    %dma_start3A_54 = tpu.memref_squeeze %dma_start3A_53 : memref<1x128xi32, #tpu.memory_space<vmem>> -> memref<128xi32, #tpu.memory_space<vmem>>
    %dma_start3A_55 = arith.constant 0 : i32
    %dma_start3A_56 = arith.constant 0 : i32
    %dma_start3A_57 = tpu.memref_slice %arg4[%arg0, %dma_start3A_55, %dma_start3A_56] : memref<2x10240x64xf32, #tpu.memory_space<hbm>> -> memref<1x10240x64xf32, #tpu.memory_space<hbm>>
    %dma_start3A_58 = tpu.memref_squeeze %dma_start3A_57 : memref<1x10240x64xf32, #tpu.memory_space<hbm>> -> memref<10240x64xf32, #tpu.memory_space<hbm>>
    %dma_start3A_59 = arith.constant 0 : i32
    %dma_start3A_60 = arith.constant 0 : i32
    %dma_start3A_61 = tpu.memref_slice %dma_start3A_58[%dma_start3A_59, %dma_start3A_60] : memref<10240x64xf32, #tpu.memory_space<hbm>> -> memref<10240x64xf32, #tpu.memory_space<hbm>>
    tpu.enqueue_indirect_dma source(%dma_start3A_61 : memref<10240x64xf32, #tpu.memory_space<hbm>>) target(%arg18 : memref<128x64xf32, #tpu.memory_space<vmem>>) offsets(%dma_start3A_54 : memref<128xi32, #tpu.memory_space<vmem>>) semaphore(%arg26 : memref<!tpu.dma_semaphore, #tpu.memory_space<semaphore_mem>>)
    %mul3A_62 = arith.constant 160 : i32
    %mul3A_63 = arith.muli %arg1, %mul3A_62 : i32
    %add3A_64 = arith.constant 3 : i32
    %add3A_65 = arith.addi %mul3A_63, %add3A_64 : i32
    %dma_start3A_66 = arith.constant 0 : i32
    %dma_start3A_67 = tpu.memref_slice %arg3[%add3A_65, %dma_start3A_66] : memref<2560x128xi32, #tpu.memory_space<hbm>> -> memref<1x128xi32, #tpu.memory_space<hbm>>
    %dma_start3A_68 = tpu.memref_squeeze %dma_start3A_67 : memref<1x128xi32, #tpu.memory_space<hbm>> -> memref<128xi32, #tpu.memory_space<hbm>>
    %dma_start3A_69 = arith.constant 0 : i32
    %dma_start3A_70 = tpu.memref_slice %arg3[%add3A_65, %dma_start3A_69] : memref<2560x128xi32, #tpu.memory_space<hbm>> -> memref<1x128xi32, #tpu.memory_space<hbm>>
    %dma_start3A_71 = tpu.memref_squeeze %dma_start3A_70 : memref<1x128xi32, #tpu.memory_space<hbm>> -> memref<128xi32, #tpu.memory_space<hbm>>
    tpu.enqueue_dma source(%dma_start3A_71 : memref<128xi32, #tpu.memory_space<hbm>>) target(%arg11 : memref<128xi32, #tpu.memory_space<vmem>>) target_semaphore(%arg35 : memref<!tpu.dma_semaphore, #tpu.memory_space<semaphore_mem>>)
    %dma_start3A_72 = arith.constant 3 : i32
    %dma_start3A_73 = arith.constant 0 : i32
    %dma_start3A_74 = tpu.memref_slice %arg7[%dma_start3A_72, %dma_start3A_73] : memref<160x128xi32, #tpu.memory_space<vmem>> -> memref<1x128xi32, #tpu.memory_space<vmem>>
    %dma_start3A_75 = tpu.memref_squeeze %dma_start3A_74 : memref<1x128xi32, #tpu.memory_space<vmem>> -> memref<128xi32, #tpu.memory_space<vmem>>
    %dma_start3A_76 = arith.constant 0 : i32
    %dma_start3A_77 = arith.constant 0 : i32
    %dma_start3A_78 = tpu.memref_slice %arg4[%arg0, %dma_start3A_76, %dma_start3A_77] : memref<2x10240x64xf32, #tpu.memory_space<hbm>> -> memref<1x10240x64xf32, #tpu.memory_space<hbm>>
    %dma_start3A_79 = tpu.memref_squeeze %dma_start3A_78 : memref<1x10240x64xf32, #tpu.memory_space<hbm>> -> memref<10240x64xf32, #tpu.memory_space<hbm>>
    %dma_start3A_80 = arith.constant 0 : i32
    %dma_start3A_81 = arith.constant 0 : i32
    %dma_start3A_82 = tpu.memref_slice %dma_start3A_79[%dma_start3A_80, %dma_start3A_81] : memref<10240x64xf32, #tpu.memory_space<hbm>> -> memref<10240x64xf32, #tpu.memory_space<hbm>>
    tpu.enqueue_indirect_dma source(%dma_start3A_82 : memref<10240x64xf32, #tpu.memory_space<hbm>>) target(%arg19 : memref<128x64xf32, #tpu.memory_space<vmem>>) offsets(%dma_start3A_75 : memref<128xi32, #tpu.memory_space<vmem>>) semaphore(%arg27 : memref<!tpu.dma_semaphore, #tpu.memory_space<semaphore_mem>>)
    %mul3A_83 = arith.constant 160 : i32
    %mul3A_84 = arith.muli %arg1, %mul3A_83 : i32
    %add3A_85 = arith.constant 4 : i32
    %add3A_86 = arith.addi %mul3A_84, %add3A_85 : i32
    %dma_start3A_87 = arith.constant 0 : i32
    %dma_start3A_88 = tpu.memref_slice %arg3[%add3A_86, %dma_start3A_87] : memref<2560x128xi32, #tpu.memory_space<hbm>> -> memref<1x128xi32, #tpu.memory_space<hbm>>
    %dma_start3A_89 = tpu.memref_squeeze %dma_start3A_88 : memref<1x128xi32, #tpu.memory_space<hbm>> -> memref<128xi32, #tpu.memory_space<hbm>>
    %dma_start3A_90 = arith.constant 0 : i32
    %dma_start3A_91 = tpu.memref_slice %arg3[%add3A_86, %dma_start3A_90] : memref<2560x128xi32, #tpu.memory_space<hbm>> -> memref<1x128xi32, #tpu.memory_space<hbm>>
    %dma_start3A_92 = tpu.memref_squeeze %dma_start3A_91 : memref<1x128xi32, #tpu.memory_space<hbm>> -> memref<128xi32, #tpu.memory_space<hbm>>
    tpu.enqueue_dma source(%dma_start3A_92 : memref<128xi32, #tpu.memory_space<hbm>>) target(%arg12 : memref<128xi32, #tpu.memory_space<vmem>>) target_semaphore(%arg36 : memref<!tpu.dma_semaphore, #tpu.memory_space<semaphore_mem>>)
    %dma_start3A_93 = arith.constant 4 : i32
    %dma_start3A_94 = arith.constant 0 : i32
    %dma_start3A_95 = tpu.memref_slice %arg7[%dma_start3A_93, %dma_start3A_94] : memref<160x128xi32, #tpu.memory_space<vmem>> -> memref<1x128xi32, #tpu.memory_space<vmem>>
    %dma_start3A_96 = tpu.memref_squeeze %dma_start3A_95 : memref<1x128xi32, #tpu.memory_space<vmem>> -> memref<128xi32, #tpu.memory_space<vmem>>
    %dma_start3A_97 = arith.constant 0 : i32
    %dma_start3A_98 = arith.constant 0 : i32
    %dma_start3A_99 = tpu.memref_slice %arg4[%arg0, %dma_start3A_97, %dma_start3A_98] : memref<2x10240x64xf32, #tpu.memory_space<hbm>> -> memref<1x10240x64xf32, #tpu.memory_space<hbm>>
    %dma_start3A_100 = tpu.memref_squeeze %dma_start3A_99 : memref<1x10240x64xf32, #tpu.memory_space<hbm>> -> memref<10240x64xf32, #tpu.memory_space<hbm>>
    %dma_start3A_101 = arith.constant 0 : i32
    %dma_start3A_102 = arith.constant 0 : i32
    %dma_start3A_103 = tpu.memref_slice %dma_start3A_100[%dma_start3A_101, %dma_start3A_102] : memref<10240x64xf32, #tpu.memory_space<hbm>> -> memref<10240x64xf32, #tpu.memory_space<hbm>>
    tpu.enqueue_indirect_dma source(%dma_start3A_103 : memref<10240x64xf32, #tpu.memory_space<hbm>>) target(%arg20 : memref<128x64xf32, #tpu.memory_space<vmem>>) offsets(%dma_start3A_96 : memref<128xi32, #tpu.memory_space<vmem>>) semaphore(%arg28 : memref<!tpu.dma_semaphore, #tpu.memory_space<semaphore_mem>>)
    %mul3A_104 = arith.constant 160 : i32
    %mul3A_105 = arith.muli %arg1, %mul3A_104 : i32
    %add3A_106 = arith.constant 5 : i32
    %add3A_107 = arith.addi %mul3A_105, %add3A_106 : i32
    %dma_start3A_108 = arith.constant 0 : i32
    %dma_start3A_109 = tpu.memref_slice %arg3[%add3A_107, %dma_start3A_108] : memref<2560x128xi32, #tpu.memory_space<hbm>> -> memref<1x128xi32, #tpu.memory_space<hbm>>
    %dma_start3A_110 = tpu.memref_squeeze %dma_start3A_109 : memref<1x128xi32, #tpu.memory_space<hbm>> -> memref<128xi32, #tpu.memory_space<hbm>>
    %dma_start3A_111 = arith.constant 0 : i32
    %dma_start3A_112 = tpu.memref_slice %arg3[%add3A_107, %dma_start3A_111] : memref<2560x128xi32, #tpu.memory_space<hbm>> -> memref<1x128xi32, #tpu.memory_space<hbm>>
    %dma_start3A_113 = tpu.memref_squeeze %dma_start3A_112 : memref<1x128xi32, #tpu.memory_space<hbm>> -> memref<128xi32, #tpu.memory_space<hbm>>
    tpu.enqueue_dma source(%dma_start3A_113 : memref<128xi32, #tpu.memory_space<hbm>>) target(%arg13 : memref<128xi32, #tpu.memory_space<vmem>>) target_semaphore(%arg37 : memref<!tpu.dma_semaphore, #tpu.memory_space<semaphore_mem>>)
    %dma_start3A_114 = arith.constant 5 : i32
    %dma_start3A_115 = arith.constant 0 : i32
    %dma_start3A_116 = tpu.memref_slice %arg7[%dma_start3A_114, %dma_start3A_115] : memref<160x128xi32, #tpu.memory_space<vmem>> -> memref<1x128xi32, #tpu.memory_space<vmem>>
    %dma_start3A_117 = tpu.memref_squeeze %dma_start3A_116 : memref<1x128xi32, #tpu.memory_space<vmem>> -> memref<128xi32, #tpu.memory_space<vmem>>
    %dma_start3A_118 = arith.constant 0 : i32
    %dma_start3A_119 = arith.constant 0 : i32
    %dma_start3A_120 = tpu.memref_slice %arg4[%arg0, %dma_start3A_118, %dma_start3A_119] : memref<2x10240x64xf32, #tpu.memory_space<hbm>> -> memref<1x10240x64xf32, #tpu.memory_space<hbm>>
    %dma_start3A_121 = tpu.memref_squeeze %dma_start3A_120 : memref<1x10240x64xf32, #tpu.memory_space<hbm>> -> memref<10240x64xf32, #tpu.memory_space<hbm>>
    %dma_start3A_122 = arith.constant 0 : i32
    %dma_start3A_123 = arith.constant 0 : i32
    %dma_start3A_124 = tpu.memref_slice %dma_start3A_121[%dma_start3A_122, %dma_start3A_123] : memref<10240x64xf32, #tpu.memory_space<hbm>> -> memref<10240x64xf32, #tpu.memory_space<hbm>>
    tpu.enqueue_indirect_dma source(%dma_start3A_124 : memref<10240x64xf32, #tpu.memory_space<hbm>>) target(%arg21 : memref<128x64xf32, #tpu.memory_space<vmem>>) offsets(%dma_start3A_117 : memref<128xi32, #tpu.memory_space<vmem>>) semaphore(%arg29 : memref<!tpu.dma_semaphore, #tpu.memory_space<semaphore_mem>>)
    %mul3A_125 = arith.constant 160 : i32
    %mul3A_126 = arith.muli %arg1, %mul3A_125 : i32
    %add3A_127 = arith.constant 6 : i32
    %add3A_128 = arith.addi %mul3A_126, %add3A_127 : i32
    %dma_start3A_129 = arith.constant 0 : i32
    %dma_start3A_130 = tpu.memref_slice %arg3[%add3A_128, %dma_start3A_129] : memref<2560x128xi32, #tpu.memory_space<hbm>> -> memref<1x128xi32, #tpu.memory_space<hbm>>
    %dma_start3A_131 = tpu.memref_squeeze %dma_start3A_130 : memref<1x128xi32, #tpu.memory_space<hbm>> -> memref<128xi32, #tpu.memory_space<hbm>>
    %dma_start3A_132 = arith.constant 0 : i32
    %dma_start3A_133 = tpu.memref_slice %arg3[%add3A_128, %dma_start3A_132] : memref<2560x128xi32, #tpu.memory_space<hbm>> -> memref<1x128xi32, #tpu.memory_space<hbm>>
    %dma_start3A_134 = tpu.memref_squeeze %dma_start3A_133 : memref<1x128xi32, #tpu.memory_space<hbm>> -> memref<128xi32, #tpu.memory_space<hbm>>
    tpu.enqueue_dma source(%dma_start3A_134 : memref<128xi32, #tpu.memory_space<hbm>>) target(%arg14 : memref<128xi32, #tpu.memory_space<vmem>>) target_semaphore(%arg38 : memref<!tpu.dma_semaphore, #tpu.memory_space<semaphore_mem>>)
    %dma_start3A_135 = arith.constant 6 : i32
    %dma_start3A_136 = arith.constant 0 : i32
    %dma_start3A_137 = tpu.memref_slice %arg7[%dma_start3A_135, %dma_start3A_136] : memref<160x128xi32, #tpu.memory_space<vmem>> -> memref<1x128xi32, #tpu.memory_space<vmem>>
    %dma_start3A_138 = tpu.memref_squeeze %dma_start3A_137 : memref<1x128xi32, #tpu.memory_space<vmem>> -> memref<128xi32, #tpu.memory_space<vmem>>
    %dma_start3A_139 = arith.constant 0 : i32
    %dma_start3A_140 = arith.constant 0 : i32
    %dma_start3A_141 = tpu.memref_slice %arg4[%arg0, %dma_start3A_139, %dma_start3A_140] : memref<2x10240x64xf32, #tpu.memory_space<hbm>> -> memref<1x10240x64xf32, #tpu.memory_space<hbm>>
    %dma_start3A_142 = tpu.memref_squeeze %dma_start3A_141 : memref<1x10240x64xf32, #tpu.memory_space<hbm>> -> memref<10240x64xf32, #tpu.memory_space<hbm>>
    %dma_start3A_143 = arith.constant 0 : i32
    %dma_start3A_144 = arith.constant 0 : i32
    %dma_start3A_145 = tpu.memref_slice %dma_start3A_142[%dma_start3A_143, %dma_start3A_144] : memref<10240x64xf32, #tpu.memory_space<hbm>> -> memref<10240x64xf32, #tpu.memory_space<hbm>>
    tpu.enqueue_indirect_dma source(%dma_start3A_145 : memref<10240x64xf32, #tpu.memory_space<hbm>>) target(%arg22 : memref<128x64xf32, #tpu.memory_space<vmem>>) offsets(%dma_start3A_138 : memref<128xi32, #tpu.memory_space<vmem>>) semaphore(%arg30 : memref<!tpu.dma_semaphore, #tpu.memory_space<semaphore_mem>>)
    %mul3A_146 = arith.constant 160 : i32
    %mul3A_147 = arith.muli %arg1, %mul3A_146 : i32
    %add3A_148 = arith.constant 7 : i32
    %add3A_149 = arith.addi %mul3A_147, %add3A_148 : i32
    %dma_start3A_150 = arith.constant 0 : i32
    %dma_start3A_151 = tpu.memref_slice %arg3[%add3A_149, %dma_start3A_150] : memref<2560x128xi32, #tpu.memory_space<hbm>> -> memref<1x128xi32, #tpu.memory_space<hbm>>
    %dma_start3A_152 = tpu.memref_squeeze %dma_start3A_151 : memref<1x128xi32, #tpu.memory_space<hbm>> -> memref<128xi32, #tpu.memory_space<hbm>>
    %dma_start3A_153 = arith.constant 0 : i32
    %dma_start3A_154 = tpu.memref_slice %arg3[%add3A_149, %dma_start3A_153] : memref<2560x128xi32, #tpu.memory_space<hbm>> -> memref<1x128xi32, #tpu.memory_space<hbm>>
    %dma_start3A_155 = tpu.memref_squeeze %dma_start3A_154 : memref<1x128xi32, #tpu.memory_space<hbm>> -> memref<128xi32, #tpu.memory_space<hbm>>
    tpu.enqueue_dma source(%dma_start3A_155 : memref<128xi32, #tpu.memory_space<hbm>>) target(%arg15 : memref<128xi32, #tpu.memory_space<vmem>>) target_semaphore(%arg39 : memref<!tpu.dma_semaphore, #tpu.memory_space<semaphore_mem>>)
    %dma_start3A_156 = arith.constant 7 : i32
    %dma_start3A_157 = arith.constant 0 : i32
    %dma_start3A_158 = tpu.memref_slice %arg7[%dma_start3A_156, %dma_start3A_157] : memref<160x128xi32, #tpu.memory_space<vmem>> -> memref<1x128xi32, #tpu.memory_space<vmem>>
    %dma_start3A_159 = tpu.memref_squeeze %dma_start3A_158 : memref<1x128xi32, #tpu.memory_space<vmem>> -> memref<128xi32, #tpu.memory_space<vmem>>
    %dma_start3A_160 = arith.constant 0 : i32
    %dma_start3A_161 = arith.constant 0 : i32
    %dma_start3A_162 = tpu.memref_slice %arg4[%arg0, %dma_start3A_160, %dma_start3A_161] : memref<2x10240x64xf32, #tpu.memory_space<hbm>> -> memref<1x10240x64xf32, #tpu.memory_space<hbm>>
    %dma_start3A_163 = tpu.memref_squeeze %dma_start3A_162 : memref<1x10240x64xf32, #tpu.memory_space<hbm>> -> memref<10240x64xf32, #tpu.memory_space<hbm>>
    %dma_start3A_164 = arith.constant 0 : i32
    %dma_start3A_165 = arith.constant 0 : i32
    %dma_start3A_166 = tpu.memref_slice %dma_start3A_163[%dma_start3A_164, %dma_start3A_165] : memref<10240x64xf32, #tpu.memory_space<hbm>> -> memref<10240x64xf32, #tpu.memory_space<hbm>>
    tpu.enqueue_indirect_dma source(%dma_start3A_166 : memref<10240x64xf32, #tpu.memory_space<hbm>>) target(%arg23 : memref<128x64xf32, #tpu.memory_space<vmem>>) offsets(%dma_start3A_159 : memref<128xi32, #tpu.memory_space<vmem>>) semaphore(%arg31 : memref<!tpu.dma_semaphore, #tpu.memory_space<semaphore_mem>>)
    %scan3A = arith.constant 0 : i32
    %scan3A_167 = arith.constant 20 : i32
    %scan3A_168 = arith.addi %scan3A, %scan3A_167 : i32
    %scan3A_169 = arith.constant 1 : i32
    scf.for %scan3A_177 = %scan3A to %scan3A_168 step %scan3A_169  : i32 {
      %mul3A_178 = arith.constant 8 : i32
      %mul3A_179 = arith.muli %scan3A_177, %mul3A_178 : i32
      %add3A_180 = arith.constant 0 : i32
      %add3A_181 = arith.addi %add3A_180, %mul3A_179 : i32
      %add3A_182 = arith.constant 0 : i32
      %add3A_183 = arith.addi %add3A_181, %add3A_182 : i32
      %mul3A_184 = arith.constant 160 : i32
      %mul3A_185 = arith.muli %arg1, %mul3A_184 : i32
      %add3A_186 = arith.addi %mul3A_185, %add3A_183 : i32
      %dma_wait3A = arith.constant 0 : i32
      %dma_wait3A_187 = tpu.memref_slice %arg3[%add3A_186, %dma_wait3A] : memref<2560x128xi32, #tpu.memory_space<hbm>> -> memref<1x128xi32, #tpu.memory_space<hbm>>
      %dma_wait3A_188 = tpu.memref_squeeze %dma_wait3A_187 : memref<1x128xi32, #tpu.memory_space<hbm>> -> memref<128xi32, #tpu.memory_space<hbm>>
      %dma_wait3A_189 = arith.constant 0 : i32
      %dma_wait3A_190 = tpu.memref_slice %arg3[%add3A_186, %dma_wait3A_189] : memref<2560x128xi32, #tpu.memory_space<hbm>> -> memref<1x128xi32, #tpu.memory_space<hbm>>
      %dma_wait3A_191 = tpu.memref_squeeze %dma_wait3A_190 : memref<1x128xi32, #tpu.memory_space<hbm>> -> memref<128xi32, #tpu.memory_space<hbm>>
      tpu.wait_dma2 semaphore(%arg32 : memref<!tpu.dma_semaphore, #tpu.memory_space<semaphore_mem>>) src(%dma_wait3A_191 : memref<128xi32, #tpu.memory_space<hbm>>) dst(%arg8 : memref<128xi32, #tpu.memory_space<vmem>>)
      %dma_wait3A_192 = arith.constant 0 : i32
      %dma_wait3A_193 = tpu.memref_slice %arg7[%add3A_183, %dma_wait3A_192] : memref<160x128xi32, #tpu.memory_space<vmem>> -> memref<1x128xi32, #tpu.memory_space<vmem>>
      %dma_wait3A_194 = tpu.memref_squeeze %dma_wait3A_193 : memref<1x128xi32, #tpu.memory_space<vmem>> -> memref<128xi32, #tpu.memory_space<vmem>>
      %dma_wait3A_195 = arith.constant 0 : i32
      %dma_wait3A_196 = arith.constant 0 : i32
      %dma_wait3A_197 = tpu.memref_slice %arg4[%arg0, %dma_wait3A_195, %dma_wait3A_196] : memref<2x10240x64xf32, #tpu.memory_space<hbm>> -> memref<1x10240x64xf32, #tpu.memory_space<hbm>>
      %dma_wait3A_198 = tpu.memref_squeeze %dma_wait3A_197 : memref<1x10240x64xf32, #tpu.memory_space<hbm>> -> memref<10240x64xf32, #tpu.memory_space<hbm>>
      %dma_wait3A_199 = arith.constant 0 : i32
      %dma_wait3A_200 = arith.constant 0 : i32
      %dma_wait3A_201 = tpu.memref_slice %dma_wait3A_198[%dma_wait3A_199, %dma_wait3A_200] : memref<10240x64xf32, #tpu.memory_space<hbm>> -> memref<10240x64xf32, #tpu.memory_space<hbm>>
      tpu.wait_indirect_dma semaphore(%arg24 : memref<!tpu.dma_semaphore, #tpu.memory_space<semaphore_mem>>) src(%dma_wait3A_201 : memref<10240x64xf32, #tpu.memory_space<hbm>>) dst(%arg16 : memref<128x64xf32, #tpu.memory_space<vmem>>)
      "tpu.region"() ({
        %run_scoped3A = tpu.sem_alloc : memref<!tpu.dma_semaphore, #tpu.memory_space<semaphore_mem>>
        %dma_start3A_404 = arith.constant 0 : i32
        %dma_start3A_405 = arith.constant 0 : i32
        %dma_start3A_406 = tpu.memref_slice %arg40[%dma_start3A_404, %dma_start3A_405] : memref<10240x64xf32, #tpu.memory_space<vmem_shared>> -> memref<10240x64xf32, #tpu.memory_space<vmem_shared>>
        tpu.enqueue_indirect_dma source(%arg16 : memref<128x64xf32, #tpu.memory_space<vmem>>) target(%dma_start3A_406 : memref<10240x64xf32, #tpu.memory_space<vmem_shared>>) offsets(%arg8 : memref<128xi32, #tpu.memory_space<vmem>>) semaphore(%run_scoped3A : memref<!tpu.dma_semaphore, #tpu.memory_space<semaphore_mem>>) {add = true}
        %dma_wait3A_407 = arith.constant 0 : i32
        %dma_wait3A_408 = arith.constant 0 : i32
        %dma_wait3A_409 = tpu.memref_slice %arg40[%dma_wait3A_407, %dma_wait3A_408] : memref<10240x64xf32, #tpu.memory_space<vmem_shared>> -> memref<10240x64xf32, #tpu.memory_space<vmem_shared>>
        tpu.wait_indirect_dma semaphore(%run_scoped3A : memref<!tpu.dma_semaphore, #tpu.memory_space<semaphore_mem>>) src(%arg16 : memref<128x64xf32, #tpu.memory_space<vmem>>) dst(%dma_wait3A_409 : memref<10240x64xf32, #tpu.memory_space<vmem_shared>>)
        tpu.yield
      }) : () -> ()
      %add3A_202 = arith.constant 8 : i32
      %add3A_203 = arith.addi %add3A_183, %add3A_202 : i32
      %lt3A = arith.constant 160 : i32
      %lt3A_204 = arith.cmpi slt, %add3A_203, %lt3A : i32
      %convert_element_type3A_205 = arith.extui %lt3A_204 : i1 to i32
      %cond3A_206 = arith.constant 0 : i32
      %cond3A_207 = arith.cmpi ne, %convert_element_type3A_205, %cond3A_206 : i32
      scf.if %cond3A_207 {
        %mul3A_404 = arith.constant 160 : i32
        %mul3A_405 = arith.muli %arg1, %mul3A_404 : i32
        %add3A_406 = arith.addi %mul3A_405, %add3A_203 : i32
        %dma_start3A_407 = arith.constant 0 : i32
        %dma_start3A_408 = tpu.memref_slice %arg3[%add3A_406, %dma_start3A_407] : memref<2560x128xi32, #tpu.memory_space<hbm>> -> memref<1x128xi32, #tpu.memory_space<hbm>>
        %dma_start3A_409 = tpu.memref_squeeze %dma_start3A_408 : memref<1x128xi32, #tpu.memory_space<hbm>> -> memref<128xi32, #tpu.memory_space<hbm>>
        %dma_start3A_410 = arith.constant 0 : i32
        %dma_start3A_411 = tpu.memref_slice %arg3[%add3A_406, %dma_start3A_410] : memref<2560x128xi32, #tpu.memory_space<hbm>> -> memref<1x128xi32, #tpu.memory_space<hbm>>
        %dma_start3A_412 = tpu.memref_squeeze %dma_start3A_411 : memref<1x128xi32, #tpu.memory_space<hbm>> -> memref<128xi32, #tpu.memory_space<hbm>>
        tpu.enqueue_dma source(%dma_start3A_412 : memref<128xi32, #tpu.memory_space<hbm>>) target(%arg8 : memref<128xi32, #tpu.memory_space<vmem>>) target_semaphore(%arg32 : memref<!tpu.dma_semaphore, #tpu.memory_space<semaphore_mem>>)
        %dma_start3A_413 = arith.constant 0 : i32
        %dma_start3A_414 = tpu.memref_slice %arg7[%add3A_203, %dma_start3A_413] : memref<160x128xi32, #tpu.memory_space<vmem>> -> memref<1x128xi32, #tpu.memory_space<vmem>>
        %dma_start3A_415 = tpu.memref_squeeze %dma_start3A_414 : memref<1x128xi32, #tpu.memory_space<vmem>> -> memref<128xi32, #tpu.memory_space<vmem>>
        %dma_start3A_416 = arith.constant 0 : i32
        %dma_start3A_417 = arith.constant 0 : i32
        %dma_start3A_418 = tpu.memref_slice %arg4[%arg0, %dma_start3A_416, %dma_start3A_417] : memref<2x10240x64xf32, #tpu.memory_space<hbm>> -> memref<1x10240x64xf32, #tpu.memory_space<hbm>>
        %dma_start3A_419 = tpu.memref_squeeze %dma_start3A_418 : memref<1x10240x64xf32, #tpu.memory_space<hbm>> -> memref<10240x64xf32, #tpu.memory_space<hbm>>
        %dma_start3A_420 = arith.constant 0 : i32
        %dma_start3A_421 = arith.constant 0 : i32
        %dma_start3A_422 = tpu.memref_slice %dma_start3A_419[%dma_start3A_420, %dma_start3A_421] : memref<10240x64xf32, #tpu.memory_space<hbm>> -> memref<10240x64xf32, #tpu.memory_space<hbm>>
        tpu.enqueue_indirect_dma source(%dma_start3A_422 : memref<10240x64xf32, #tpu.memory_space<hbm>>) target(%arg16 : memref<128x64xf32, #tpu.memory_space<vmem>>) offsets(%dma_start3A_415 : memref<128xi32, #tpu.memory_space<vmem>>) semaphore(%arg24 : memref<!tpu.dma_semaphore, #tpu.memory_space<semaphore_mem>>)
      } else {
      }
      %add3A_208 = arith.constant 1 : i32
      %add3A_209 = arith.addi %add3A_181, %add3A_208 : i32
      %mul3A_210 = arith.constant 160 : i32
      %mul3A_211 = arith.muli %arg1, %mul3A_210 : i32
      %add3A_212 = arith.addi %mul3A_211, %add3A_209 : i32
      %dma_wait3A_213 = arith.constant 0 : i32
      %dma_wait3A_214 = tpu.memref_slice %arg3[%add3A_212, %dma_wait3A_213] : memref<2560x128xi32, #tpu.memory_space<hbm>> -> memref<1x128xi32, #tpu.memory_space<hbm>>
      %dma_wait3A_215 = tpu.memref_squeeze %dma_wait3A_214 : memref<1x128xi32, #tpu.memory_space<hbm>> -> memref<128xi32, #tpu.memory_space<hbm>>
      %dma_wait3A_216 = arith.constant 0 : i32
      %dma_wait3A_217 = tpu.memref_slice %arg3[%add3A_212, %dma_wait3A_216] : memref<2560x128xi32, #tpu.memory_space<hbm>> -> memref<1x128xi32, #tpu.memory_space<hbm>>
      %dma_wait3A_218 = tpu.memref_squeeze %dma_wait3A_217 : memref<1x128xi32, #tpu.memory_space<hbm>> -> memref<128xi32, #tpu.memory_space<hbm>>
      tpu.wait_dma2 semaphore(%arg33 : memref<!tpu.dma_semaphore, #tpu.memory_space<semaphore_mem>>) src(%dma_wait3A_218 : memref<128xi32, #tpu.memory_space<hbm>>) dst(%arg9 : memref<128xi32, #tpu.memory_space<vmem>>)
      %dma_wait3A_219 = arith.constant 0 : i32
      %dma_wait3A_220 = tpu.memref_slice %arg7[%add3A_209, %dma_wait3A_219] : memref<160x128xi32, #tpu.memory_space<vmem>> -> memref<1x128xi32, #tpu.memory_space<vmem>>
      %dma_wait3A_221 = tpu.memref_squeeze %dma_wait3A_220 : memref<1x128xi32, #tpu.memory_space<vmem>> -> memref<128xi32, #tpu.memory_space<vmem>>
      %dma_wait3A_222 = arith.constant 0 : i32
      %dma_wait3A_223 = arith.constant 0 : i32
      %dma_wait3A_224 = tpu.memref_slice %arg4[%arg0, %dma_wait3A_222, %dma_wait3A_223] : memref<2x10240x64xf32, #tpu.memory_space<hbm>> -> memref<1x10240x64xf32, #tpu.memory_space<hbm>>
      %dma_wait3A_225 = tpu.memref_squeeze %dma_wait3A_224 : memref<1x10240x64xf32, #tpu.memory_space<hbm>> -> memref<10240x64xf32, #tpu.memory_space<hbm>>
      %dma_wait3A_226 = arith.constant 0 : i32
      %dma_wait3A_227 = arith.constant 0 : i32
      %dma_wait3A_228 = tpu.memref_slice %dma_wait3A_225[%dma_wait3A_226, %dma_wait3A_227] : memref<10240x64xf32, #tpu.memory_space<hbm>> -> memref<10240x64xf32, #tpu.memory_space<hbm>>
      tpu.wait_indirect_dma semaphore(%arg25 : memref<!tpu.dma_semaphore, #tpu.memory_space<semaphore_mem>>) src(%dma_wait3A_228 : memref<10240x64xf32, #tpu.memory_space<hbm>>) dst(%arg17 : memref<128x64xf32, #tpu.memory_space<vmem>>)
      "tpu.region"() ({
        %run_scoped3A = tpu.sem_alloc : memref<!tpu.dma_semaphore, #tpu.memory_space<semaphore_mem>>
        %dma_start3A_404 = arith.constant 0 : i32
        %dma_start3A_405 = arith.constant 0 : i32
        %dma_start3A_406 = tpu.memref_slice %arg40[%dma_start3A_404, %dma_start3A_405] : memref<10240x64xf32, #tpu.memory_space<vmem_shared>> -> memref<10240x64xf32, #tpu.memory_space<vmem_shared>>
        tpu.enqueue_indirect_dma source(%arg17 : memref<128x64xf32, #tpu.memory_space<vmem>>) target(%dma_start3A_406 : memref<10240x64xf32, #tpu.memory_space<vmem_shared>>) offsets(%arg9 : memref<128xi32, #tpu.memory_space<vmem>>) semaphore(%run_scoped3A : memref<!tpu.dma_semaphore, #tpu.memory_space<semaphore_mem>>) {add = true}
        %dma_wait3A_407 = arith.constant 0 : i32
        %dma_wait3A_408 = arith.constant 0 : i32
        %dma_wait3A_409 = tpu.memref_slice %arg40[%dma_wait3A_407, %dma_wait3A_408] : memref<10240x64xf32, #tpu.memory_space<vmem_shared>> -> memref<10240x64xf32, #tpu.memory_space<vmem_shared>>
        tpu.wait_indirect_dma semaphore(%run_scoped3A : memref<!tpu.dma_semaphore, #tpu.memory_space<semaphore_mem>>) src(%arg17 : memref<128x64xf32, #tpu.memory_space<vmem>>) dst(%dma_wait3A_409 : memref<10240x64xf32, #tpu.memory_space<vmem_shared>>)
        tpu.yield
      }) : () -> ()
      %add3A_229 = arith.constant 8 : i32
      %add3A_230 = arith.addi %add3A_209, %add3A_229 : i32
      %lt3A_231 = arith.constant 160 : i32
      %lt3A_232 = arith.cmpi slt, %add3A_230, %lt3A_231 : i32
      %convert_element_type3A_233 = arith.extui %lt3A_232 : i1 to i32
      %cond3A_234 = arith.constant 0 : i32
      %cond3A_235 = arith.cmpi ne, %convert_element_type3A_233, %cond3A_234 : i32
      scf.if %cond3A_235 {
        %mul3A_404 = arith.constant 160 : i32
        %mul3A_405 = arith.muli %arg1, %mul3A_404 : i32
        %add3A_406 = arith.addi %mul3A_405, %add3A_230 : i32
        %dma_start3A_407 = arith.constant 0 : i32
        %dma_start3A_408 = tpu.memref_slice %arg3[%add3A_406, %dma_start3A_407] : memref<2560x128xi32, #tpu.memory_space<hbm>> -> memref<1x128xi32, #tpu.memory_space<hbm>>
        %dma_start3A_409 = tpu.memref_squeeze %dma_start3A_408 : memref<1x128xi32, #tpu.memory_space<hbm>> -> memref<128xi32, #tpu.memory_space<hbm>>
        %dma_start3A_410 = arith.constant 0 : i32
        %dma_start3A_411 = tpu.memref_slice %arg3[%add3A_406, %dma_start3A_410] : memref<2560x128xi32, #tpu.memory_space<hbm>> -> memref<1x128xi32, #tpu.memory_space<hbm>>
        %dma_start3A_412 = tpu.memref_squeeze %dma_start3A_411 : memref<1x128xi32, #tpu.memory_space<hbm>> -> memref<128xi32, #tpu.memory_space<hbm>>
        tpu.enqueue_dma source(%dma_start3A_412 : memref<128xi32, #tpu.memory_space<hbm>>) target(%arg9 : memref<128xi32, #tpu.memory_space<vmem>>) target_semaphore(%arg33 : memref<!tpu.dma_semaphore, #tpu.memory_space<semaphore_mem>>)
        %dma_start3A_413 = arith.constant 0 : i32
        %dma_start3A_414 = tpu.memref_slice %arg7[%add3A_230, %dma_start3A_413] : memref<160x128xi32, #tpu.memory_space<vmem>> -> memref<1x128xi32, #tpu.memory_space<vmem>>
        %dma_start3A_415 = tpu.memref_squeeze %dma_start3A_414 : memref<1x128xi32, #tpu.memory_space<vmem>> -> memref<128xi32, #tpu.memory_space<vmem>>
        %dma_start3A_416 = arith.constant 0 : i32
        %dma_start3A_417 = arith.constant 0 : i32
        %dma_start3A_418 = tpu.memref_slice %arg4[%arg0, %dma_start3A_416, %dma_start3A_417] : memref<2x10240x64xf32, #tpu.memory_space<hbm>> -> memref<1x10240x64xf32, #tpu.memory_space<hbm>>
        %dma_start3A_419 = tpu.memref_squeeze %dma_start3A_418 : memref<1x10240x64xf32, #tpu.memory_space<hbm>> -> memref<10240x64xf32, #tpu.memory_space<hbm>>
        %dma_start3A_420 = arith.constant 0 : i32
        %dma_start3A_421 = arith.constant 0 : i32
        %dma_start3A_422 = tpu.memref_slice %dma_start3A_419[%dma_start3A_420, %dma_start3A_421] : memref<10240x64xf32, #tpu.memory_space<hbm>> -> memref<10240x64xf32, #tpu.memory_space<hbm>>
        tpu.enqueue_indirect_dma source(%dma_start3A_422 : memref<10240x64xf32, #tpu.memory_space<hbm>>) target(%arg17 : memref<128x64xf32, #tpu.memory_space<vmem>>) offsets(%dma_start3A_415 : memref<128xi32, #tpu.memory_space<vmem>>) semaphore(%arg25 : memref<!tpu.dma_semaphore, #tpu.memory_space<semaphore_mem>>)
      } else {
      }
      %add3A_236 = arith.constant 2 : i32
      %add3A_237 = arith.addi %add3A_181, %add3A_236 : i32
      %mul3A_238 = arith.constant 160 : i32
      %mul3A_239 = arith.muli %arg1, %mul3A_238 : i32
      %add3A_240 = arith.addi %mul3A_239, %add3A_237 : i32
      %dma_wait3A_241 = arith.constant 0 : i32
      %dma_wait3A_242 = tpu.memref_slice %arg3[%add3A_240, %dma_wait3A_241] : memref<2560x128xi32, #tpu.memory_space<hbm>> -> memref<1x128xi32, #tpu.memory_space<hbm>>
      %dma_wait3A_243 = tpu.memref_squeeze %dma_wait3A_242 : memref<1x128xi32, #tpu.memory_space<hbm>> -> memref<128xi32, #tpu.memory_space<hbm>>
      %dma_wait3A_244 = arith.constant 0 : i32
      %dma_wait3A_245 = tpu.memref_slice %arg3[%add3A_240, %dma_wait3A_244] : memref<2560x128xi32, #tpu.memory_space<hbm>> -> memref<1x128xi32, #tpu.memory_space<hbm>>
      %dma_wait3A_246 = tpu.memref_squeeze %dma_wait3A_245 : memref<1x128xi32, #tpu.memory_space<hbm>> -> memref<128xi32, #tpu.memory_space<hbm>>
      tpu.wait_dma2 semaphore(%arg34 : memref<!tpu.dma_semaphore, #tpu.memory_space<semaphore_mem>>) src(%dma_wait3A_246 : memref<128xi32, #tpu.memory_space<hbm>>) dst(%arg10 : memref<128xi32, #tpu.memory_space<vmem>>)
      %dma_wait3A_247 = arith.constant 0 : i32
      %dma_wait3A_248 = tpu.memref_slice %arg7[%add3A_237, %dma_wait3A_247] : memref<160x128xi32, #tpu.memory_space<vmem>> -> memref<1x128xi32, #tpu.memory_space<vmem>>
      %dma_wait3A_249 = tpu.memref_squeeze %dma_wait3A_248 : memref<1x128xi32, #tpu.memory_space<vmem>> -> memref<128xi32, #tpu.memory_space<vmem>>
      %dma_wait3A_250 = arith.constant 0 : i32
      %dma_wait3A_251 = arith.constant 0 : i32
      %dma_wait3A_252 = tpu.memref_slice %arg4[%arg0, %dma_wait3A_250, %dma_wait3A_251] : memref<2x10240x64xf32, #tpu.memory_space<hbm>> -> memref<1x10240x64xf32, #tpu.memory_space<hbm>>
      %dma_wait3A_253 = tpu.memref_squeeze %dma_wait3A_252 : memref<1x10240x64xf32, #tpu.memory_space<hbm>> -> memref<10240x64xf32, #tpu.memory_space<hbm>>
      %dma_wait3A_254 = arith.constant 0 : i32
      %dma_wait3A_255 = arith.constant 0 : i32
      %dma_wait3A_256 = tpu.memref_slice %dma_wait3A_253[%dma_wait3A_254, %dma_wait3A_255] : memref<10240x64xf32, #tpu.memory_space<hbm>> -> memref<10240x64xf32, #tpu.memory_space<hbm>>
      tpu.wait_indirect_dma semaphore(%arg26 : memref<!tpu.dma_semaphore, #tpu.memory_space<semaphore_mem>>) src(%dma_wait3A_256 : memref<10240x64xf32, #tpu.memory_space<hbm>>) dst(%arg18 : memref<128x64xf32, #tpu.memory_space<vmem>>)
      "tpu.region"() ({
        %run_scoped3A = tpu.sem_alloc : memref<!tpu.dma_semaphore, #tpu.memory_space<semaphore_mem>>
        %dma_start3A_404 = arith.constant 0 : i32
        %dma_start3A_405 = arith.constant 0 : i32
        %dma_start3A_406 = tpu.memref_slice %arg40[%dma_start3A_404, %dma_start3A_405] : memref<10240x64xf32, #tpu.memory_space<vmem_shared>> -> memref<10240x64xf32, #tpu.memory_space<vmem_shared>>
        tpu.enqueue_indirect_dma source(%arg18 : memref<128x64xf32, #tpu.memory_space<vmem>>) target(%dma_start3A_406 : memref<10240x64xf32, #tpu.memory_space<vmem_shared>>) offsets(%arg10 : memref<128xi32, #tpu.memory_space<vmem>>) semaphore(%run_scoped3A : memref<!tpu.dma_semaphore, #tpu.memory_space<semaphore_mem>>) {add = true}
        %dma_wait3A_407 = arith.constant 0 : i32
        %dma_wait3A_408 = arith.constant 0 : i32
        %dma_wait3A_409 = tpu.memref_slice %arg40[%dma_wait3A_407, %dma_wait3A_408] : memref<10240x64xf32, #tpu.memory_space<vmem_shared>> -> memref<10240x64xf32, #tpu.memory_space<vmem_shared>>
        tpu.wait_indirect_dma semaphore(%run_scoped3A : memref<!tpu.dma_semaphore, #tpu.memory_space<semaphore_mem>>) src(%arg18 : memref<128x64xf32, #tpu.memory_space<vmem>>) dst(%dma_wait3A_409 : memref<10240x64xf32, #tpu.memory_space<vmem_shared>>)
        tpu.yield
      }) : () -> ()
      %add3A_257 = arith.constant 8 : i32
      %add3A_258 = arith.addi %add3A_237, %add3A_257 : i32
      %lt3A_259 = arith.constant 160 : i32
      %lt3A_260 = arith.cmpi slt, %add3A_258, %lt3A_259 : i32
      %convert_element_type3A_261 = arith.extui %lt3A_260 : i1 to i32
      %cond3A_262 = arith.constant 0 : i32
      %cond3A_263 = arith.cmpi ne, %convert_element_type3A_261, %cond3A_262 : i32
      scf.if %cond3A_263 {
        %mul3A_404 = arith.constant 160 : i32
        %mul3A_405 = arith.muli %arg1, %mul3A_404 : i32
        %add3A_406 = arith.addi %mul3A_405, %add3A_258 : i32
        %dma_start3A_407 = arith.constant 0 : i32
        %dma_start3A_408 = tpu.memref_slice %arg3[%add3A_406, %dma_start3A_407] : memref<2560x128xi32, #tpu.memory_space<hbm>> -> memref<1x128xi32, #tpu.memory_space<hbm>>
        %dma_start3A_409 = tpu.memref_squeeze %dma_start3A_408 : memref<1x128xi32, #tpu.memory_space<hbm>> -> memref<128xi32, #tpu.memory_space<hbm>>
        %dma_start3A_410 = arith.constant 0 : i32
        %dma_start3A_411 = tpu.memref_slice %arg3[%add3A_406, %dma_start3A_410] : memref<2560x128xi32, #tpu.memory_space<hbm>> -> memref<1x128xi32, #tpu.memory_space<hbm>>
        %dma_start3A_412 = tpu.memref_squeeze %dma_start3A_411 : memref<1x128xi32, #tpu.memory_space<hbm>> -> memref<128xi32, #tpu.memory_space<hbm>>
        tpu.enqueue_dma source(%dma_start3A_412 : memref<128xi32, #tpu.memory_space<hbm>>) target(%arg10 : memref<128xi32, #tpu.memory_space<vmem>>) target_semaphore(%arg34 : memref<!tpu.dma_semaphore, #tpu.memory_space<semaphore_mem>>)
        %dma_start3A_413 = arith.constant 0 : i32
        %dma_start3A_414 = tpu.memref_slice %arg7[%add3A_258, %dma_start3A_413] : memref<160x128xi32, #tpu.memory_space<vmem>> -> memref<1x128xi32, #tpu.memory_space<vmem>>
        %dma_start3A_415 = tpu.memref_squeeze %dma_start3A_414 : memref<1x128xi32, #tpu.memory_space<vmem>> -> memref<128xi32, #tpu.memory_space<vmem>>
        %dma_start3A_416 = arith.constant 0 : i32
        %dma_start3A_417 = arith.constant 0 : i32
        %dma_start3A_418 = tpu.memref_slice %arg4[%arg0, %dma_start3A_416, %dma_start3A_417] : memref<2x10240x64xf32, #tpu.memory_space<hbm>> -> memref<1x10240x64xf32, #tpu.memory_space<hbm>>
        %dma_start3A_419 = tpu.memref_squeeze %dma_start3A_418 : memref<1x10240x64xf32, #tpu.memory_space<hbm>> -> memref<10240x64xf32, #tpu.memory_space<hbm>>
        %dma_start3A_420 = arith.constant 0 : i32
        %dma_start3A_421 = arith.constant 0 : i32
        %dma_start3A_422 = tpu.memref_slice %dma_start3A_419[%dma_start3A_420, %dma_start3A_421] : memref<10240x64xf32, #tpu.memory_space<hbm>> -> memref<10240x64xf32, #tpu.memory_space<hbm>>
        tpu.enqueue_indirect_dma source(%dma_start3A_422 : memref<10240x64xf32, #tpu.memory_space<hbm>>) target(%arg18 : memref<128x64xf32, #tpu.memory_space<vmem>>) offsets(%dma_start3A_415 : memref<128xi32, #tpu.memory_space<vmem>>) semaphore(%arg26 : memref<!tpu.dma_semaphore, #tpu.memory_space<semaphore_mem>>)
      } else {
      }
      %add3A_264 = arith.constant 3 : i32
      %add3A_265 = arith.addi %add3A_181, %add3A_264 : i32
      %mul3A_266 = arith.constant 160 : i32
      %mul3A_267 = arith.muli %arg1, %mul3A_266 : i32
      %add3A_268 = arith.addi %mul3A_267, %add3A_265 : i32
      %dma_wait3A_269 = arith.constant 0 : i32
      %dma_wait3A_270 = tpu.memref_slice %arg3[%add3A_268, %dma_wait3A_269] : memref<2560x128xi32, #tpu.memory_space<hbm>> -> memref<1x128xi32, #tpu.memory_space<hbm>>
      %dma_wait3A_271 = tpu.memref_squeeze %dma_wait3A_270 : memref<1x128xi32, #tpu.memory_space<hbm>> -> memref<128xi32, #tpu.memory_space<hbm>>
      %dma_wait3A_272 = arith.constant 0 : i32
      %dma_wait3A_273 = tpu.memref_slice %arg3[%add3A_268, %dma_wait3A_272] : memref<2560x128xi32, #tpu.memory_space<hbm>> -> memref<1x128xi32, #tpu.memory_space<hbm>>
      %dma_wait3A_274 = tpu.memref_squeeze %dma_wait3A_273 : memref<1x128xi32, #tpu.memory_space<hbm>> -> memref<128xi32, #tpu.memory_space<hbm>>
      tpu.wait_dma2 semaphore(%arg35 : memref<!tpu.dma_semaphore, #tpu.memory_space<semaphore_mem>>) src(%dma_wait3A_274 : memref<128xi32, #tpu.memory_space<hbm>>) dst(%arg11 : memref<128xi32, #tpu.memory_space<vmem>>)
      %dma_wait3A_275 = arith.constant 0 : i32
      %dma_wait3A_276 = tpu.memref_slice %arg7[%add3A_265, %dma_wait3A_275] : memref<160x128xi32, #tpu.memory_space<vmem>> -> memref<1x128xi32, #tpu.memory_space<vmem>>
      %dma_wait3A_277 = tpu.memref_squeeze %dma_wait3A_276 : memref<1x128xi32, #tpu.memory_space<vmem>> -> memref<128xi32, #tpu.memory_space<vmem>>
      %dma_wait3A_278 = arith.constant 0 : i32
      %dma_wait3A_279 = arith.constant 0 : i32
      %dma_wait3A_280 = tpu.memref_slice %arg4[%arg0, %dma_wait3A_278, %dma_wait3A_279] : memref<2x10240x64xf32, #tpu.memory_space<hbm>> -> memref<1x10240x64xf32, #tpu.memory_space<hbm>>
      %dma_wait3A_281 = tpu.memref_squeeze %dma_wait3A_280 : memref<1x10240x64xf32, #tpu.memory_space<hbm>> -> memref<10240x64xf32, #tpu.memory_space<hbm>>
      %dma_wait3A_282 = arith.constant 0 : i32
      %dma_wait3A_283 = arith.constant 0 : i32
      %dma_wait3A_284 = tpu.memref_slice %dma_wait3A_281[%dma_wait3A_282, %dma_wait3A_283] : memref<10240x64xf32, #tpu.memory_space<hbm>> -> memref<10240x64xf32, #tpu.memory_space<hbm>>
      tpu.wait_indirect_dma semaphore(%arg27 : memref<!tpu.dma_semaphore, #tpu.memory_space<semaphore_mem>>) src(%dma_wait3A_284 : memref<10240x64xf32, #tpu.memory_space<hbm>>) dst(%arg19 : memref<128x64xf32, #tpu.memory_space<vmem>>)
      "tpu.region"() ({
        %run_scoped3A = tpu.sem_alloc : memref<!tpu.dma_semaphore, #tpu.memory_space<semaphore_mem>>
        %dma_start3A_404 = arith.constant 0 : i32
        %dma_start3A_405 = arith.constant 0 : i32
        %dma_start3A_406 = tpu.memref_slice %arg40[%dma_start3A_404, %dma_start3A_405] : memref<10240x64xf32, #tpu.memory_space<vmem_shared>> -> memref<10240x64xf32, #tpu.memory_space<vmem_shared>>
        tpu.enqueue_indirect_dma source(%arg19 : memref<128x64xf32, #tpu.memory_space<vmem>>) target(%dma_start3A_406 : memref<10240x64xf32, #tpu.memory_space<vmem_shared>>) offsets(%arg11 : memref<128xi32, #tpu.memory_space<vmem>>) semaphore(%run_scoped3A : memref<!tpu.dma_semaphore, #tpu.memory_space<semaphore_mem>>) {add = true}
        %dma_wait3A_407 = arith.constant 0 : i32
        %dma_wait3A_408 = arith.constant 0 : i32
        %dma_wait3A_409 = tpu.memref_slice %arg40[%dma_wait3A_407, %dma_wait3A_408] : memref<10240x64xf32, #tpu.memory_space<vmem_shared>> -> memref<10240x64xf32, #tpu.memory_space<vmem_shared>>
        tpu.wait_indirect_dma semaphore(%run_scoped3A : memref<!tpu.dma_semaphore, #tpu.memory_space<semaphore_mem>>) src(%arg19 : memref<128x64xf32, #tpu.memory_space<vmem>>) dst(%dma_wait3A_409 : memref<10240x64xf32, #tpu.memory_space<vmem_shared>>)
        tpu.yield
      }) : () -> ()
      %add3A_285 = arith.constant 8 : i32
      %add3A_286 = arith.addi %add3A_265, %add3A_285 : i32
      %lt3A_287 = arith.constant 160 : i32
      %lt3A_288 = arith.cmpi slt, %add3A_286, %lt3A_287 : i32
      %convert_element_type3A_289 = arith.extui %lt3A_288 : i1 to i32
      %cond3A_290 = arith.constant 0 : i32
      %cond3A_291 = arith.cmpi ne, %convert_element_type3A_289, %cond3A_290 : i32
      scf.if %cond3A_291 {
        %mul3A_404 = arith.constant 160 : i32
        %mul3A_405 = arith.muli %arg1, %mul3A_404 : i32
        %add3A_406 = arith.addi %mul3A_405, %add3A_286 : i32
        %dma_start3A_407 = arith.constant 0 : i32
        %dma_start3A_408 = tpu.memref_slice %arg3[%add3A_406, %dma_start3A_407] : memref<2560x128xi32, #tpu.memory_space<hbm>> -> memref<1x128xi32, #tpu.memory_space<hbm>>
        %dma_start3A_409 = tpu.memref_squeeze %dma_start3A_408 : memref<1x128xi32, #tpu.memory_space<hbm>> -> memref<128xi32, #tpu.memory_space<hbm>>
        %dma_start3A_410 = arith.constant 0 : i32
        %dma_start3A_411 = tpu.memref_slice %arg3[%add3A_406, %dma_start3A_410] : memref<2560x128xi32, #tpu.memory_space<hbm>> -> memref<1x128xi32, #tpu.memory_space<hbm>>
        %dma_start3A_412 = tpu.memref_squeeze %dma_start3A_411 : memref<1x128xi32, #tpu.memory_space<hbm>> -> memref<128xi32, #tpu.memory_space<hbm>>
        tpu.enqueue_dma source(%dma_start3A_412 : memref<128xi32, #tpu.memory_space<hbm>>) target(%arg11 : memref<128xi32, #tpu.memory_space<vmem>>) target_semaphore(%arg35 : memref<!tpu.dma_semaphore, #tpu.memory_space<semaphore_mem>>)
        %dma_start3A_413 = arith.constant 0 : i32
        %dma_start3A_414 = tpu.memref_slice %arg7[%add3A_286, %dma_start3A_413] : memref<160x128xi32, #tpu.memory_space<vmem>> -> memref<1x128xi32, #tpu.memory_space<vmem>>
        %dma_start3A_415 = tpu.memref_squeeze %dma_start3A_414 : memref<1x128xi32, #tpu.memory_space<vmem>> -> memref<128xi32, #tpu.memory_space<vmem>>
        %dma_start3A_416 = arith.constant 0 : i32
        %dma_start3A_417 = arith.constant 0 : i32
        %dma_start3A_418 = tpu.memref_slice %arg4[%arg0, %dma_start3A_416, %dma_start3A_417] : memref<2x10240x64xf32, #tpu.memory_space<hbm>> -> memref<1x10240x64xf32, #tpu.memory_space<hbm>>
        %dma_start3A_419 = tpu.memref_squeeze %dma_start3A_418 : memref<1x10240x64xf32, #tpu.memory_space<hbm>> -> memref<10240x64xf32, #tpu.memory_space<hbm>>
        %dma_start3A_420 = arith.constant 0 : i32
        %dma_start3A_421 = arith.constant 0 : i32
        %dma_start3A_422 = tpu.memref_slice %dma_start3A_419[%dma_start3A_420, %dma_start3A_421] : memref<10240x64xf32, #tpu.memory_space<hbm>> -> memref<10240x64xf32, #tpu.memory_space<hbm>>
        tpu.enqueue_indirect_dma source(%dma_start3A_422 : memref<10240x64xf32, #tpu.memory_space<hbm>>) target(%arg19 : memref<128x64xf32, #tpu.memory_space<vmem>>) offsets(%dma_start3A_415 : memref<128xi32, #tpu.memory_space<vmem>>) semaphore(%arg27 : memref<!tpu.dma_semaphore, #tpu.memory_space<semaphore_mem>>)
      } else {
      }
      %add3A_292 = arith.constant 4 : i32
      %add3A_293 = arith.addi %add3A_181, %add3A_292 : i32
      %mul3A_294 = arith.constant 160 : i32
      %mul3A_295 = arith.muli %arg1, %mul3A_294 : i32
      %add3A_296 = arith.addi %mul3A_295, %add3A_293 : i32
      %dma_wait3A_297 = arith.constant 0 : i32
      %dma_wait3A_298 = tpu.memref_slice %arg3[%add3A_296, %dma_wait3A_297] : memref<2560x128xi32, #tpu.memory_space<hbm>> -> memref<1x128xi32, #tpu.memory_space<hbm>>
      %dma_wait3A_299 = tpu.memref_squeeze %dma_wait3A_298 : memref<1x128xi32, #tpu.memory_space<hbm>> -> memref<128xi32, #tpu.memory_space<hbm>>
      %dma_wait3A_300 = arith.constant 0 : i32
      %dma_wait3A_301 = tpu.memref_slice %arg3[%add3A_296, %dma_wait3A_300] : memref<2560x128xi32, #tpu.memory_space<hbm>> -> memref<1x128xi32, #tpu.memory_space<hbm>>
      %dma_wait3A_302 = tpu.memref_squeeze %dma_wait3A_301 : memref<1x128xi32, #tpu.memory_space<hbm>> -> memref<128xi32, #tpu.memory_space<hbm>>
      tpu.wait_dma2 semaphore(%arg36 : memref<!tpu.dma_semaphore, #tpu.memory_space<semaphore_mem>>) src(%dma_wait3A_302 : memref<128xi32, #tpu.memory_space<hbm>>) dst(%arg12 : memref<128xi32, #tpu.memory_space<vmem>>)
      %dma_wait3A_303 = arith.constant 0 : i32
      %dma_wait3A_304 = tpu.memref_slice %arg7[%add3A_293, %dma_wait3A_303] : memref<160x128xi32, #tpu.memory_space<vmem>> -> memref<1x128xi32, #tpu.memory_space<vmem>>
      %dma_wait3A_305 = tpu.memref_squeeze %dma_wait3A_304 : memref<1x128xi32, #tpu.memory_space<vmem>> -> memref<128xi32, #tpu.memory_space<vmem>>
      %dma_wait3A_306 = arith.constant 0 : i32
      %dma_wait3A_307 = arith.constant 0 : i32
      %dma_wait3A_308 = tpu.memref_slice %arg4[%arg0, %dma_wait3A_306, %dma_wait3A_307] : memref<2x10240x64xf32, #tpu.memory_space<hbm>> -> memref<1x10240x64xf32, #tpu.memory_space<hbm>>
      %dma_wait3A_309 = tpu.memref_squeeze %dma_wait3A_308 : memref<1x10240x64xf32, #tpu.memory_space<hbm>> -> memref<10240x64xf32, #tpu.memory_space<hbm>>
      %dma_wait3A_310 = arith.constant 0 : i32
      %dma_wait3A_311 = arith.constant 0 : i32
      %dma_wait3A_312 = tpu.memref_slice %dma_wait3A_309[%dma_wait3A_310, %dma_wait3A_311] : memref<10240x64xf32, #tpu.memory_space<hbm>> -> memref<10240x64xf32, #tpu.memory_space<hbm>>
      tpu.wait_indirect_dma semaphore(%arg28 : memref<!tpu.dma_semaphore, #tpu.memory_space<semaphore_mem>>) src(%dma_wait3A_312 : memref<10240x64xf32, #tpu.memory_space<hbm>>) dst(%arg20 : memref<128x64xf32, #tpu.memory_space<vmem>>)
      "tpu.region"() ({
        %run_scoped3A = tpu.sem_alloc : memref<!tpu.dma_semaphore, #tpu.memory_space<semaphore_mem>>
        %dma_start3A_404 = arith.constant 0 : i32
        %dma_start3A_405 = arith.constant 0 : i32
        %dma_start3A_406 = tpu.memref_slice %arg40[%dma_start3A_404, %dma_start3A_405] : memref<10240x64xf32, #tpu.memory_space<vmem_shared>> -> memref<10240x64xf32, #tpu.memory_space<vmem_shared>>
        tpu.enqueue_indirect_dma source(%arg20 : memref<128x64xf32, #tpu.memory_space<vmem>>) target(%dma_start3A_406 : memref<10240x64xf32, #tpu.memory_space<vmem_shared>>) offsets(%arg12 : memref<128xi32, #tpu.memory_space<vmem>>) semaphore(%run_scoped3A : memref<!tpu.dma_semaphore, #tpu.memory_space<semaphore_mem>>) {add = true}
        %dma_wait3A_407 = arith.constant 0 : i32
        %dma_wait3A_408 = arith.constant 0 : i32
        %dma_wait3A_409 = tpu.memref_slice %arg40[%dma_wait3A_407, %dma_wait3A_408] : memref<10240x64xf32, #tpu.memory_space<vmem_shared>> -> memref<10240x64xf32, #tpu.memory_space<vmem_shared>>
        tpu.wait_indirect_dma semaphore(%run_scoped3A : memref<!tpu.dma_semaphore, #tpu.memory_space<semaphore_mem>>) src(%arg20 : memref<128x64xf32, #tpu.memory_space<vmem>>) dst(%dma_wait3A_409 : memref<10240x64xf32, #tpu.memory_space<vmem_shared>>)
        tpu.yield
      }) : () -> ()
      %add3A_313 = arith.constant 8 : i32
      %add3A_314 = arith.addi %add3A_293, %add3A_313 : i32
      %lt3A_315 = arith.constant 160 : i32
      %lt3A_316 = arith.cmpi slt, %add3A_314, %lt3A_315 : i32
      %convert_element_type3A_317 = arith.extui %lt3A_316 : i1 to i32
      %cond3A_318 = arith.constant 0 : i32
      %cond3A_319 = arith.cmpi ne, %convert_element_type3A_317, %cond3A_318 : i32
      scf.if %cond3A_319 {
        %mul3A_404 = arith.constant 160 : i32
        %mul3A_405 = arith.muli %arg1, %mul3A_404 : i32
        %add3A_406 = arith.addi %mul3A_405, %add3A_314 : i32
        %dma_start3A_407 = arith.constant 0 : i32
        %dma_start3A_408 = tpu.memref_slice %arg3[%add3A_406, %dma_start3A_407] : memref<2560x128xi32, #tpu.memory_space<hbm>> -> memref<1x128xi32, #tpu.memory_space<hbm>>
        %dma_start3A_409 = tpu.memref_squeeze %dma_start3A_408 : memref<1x128xi32, #tpu.memory_space<hbm>> -> memref<128xi32, #tpu.memory_space<hbm>>
        %dma_start3A_410 = arith.constant 0 : i32
        %dma_start3A_411 = tpu.memref_slice %arg3[%add3A_406, %dma_start3A_410] : memref<2560x128xi32, #tpu.memory_space<hbm>> -> memref<1x128xi32, #tpu.memory_space<hbm>>
        %dma_start3A_412 = tpu.memref_squeeze %dma_start3A_411 : memref<1x128xi32, #tpu.memory_space<hbm>> -> memref<128xi32, #tpu.memory_space<hbm>>
        tpu.enqueue_dma source(%dma_start3A_412 : memref<128xi32, #tpu.memory_space<hbm>>) target(%arg12 : memref<128xi32, #tpu.memory_space<vmem>>) target_semaphore(%arg36 : memref<!tpu.dma_semaphore, #tpu.memory_space<semaphore_mem>>)
        %dma_start3A_413 = arith.constant 0 : i32
        %dma_start3A_414 = tpu.memref_slice %arg7[%add3A_314, %dma_start3A_413] : memref<160x128xi32, #tpu.memory_space<vmem>> -> memref<1x128xi32, #tpu.memory_space<vmem>>
        %dma_start3A_415 = tpu.memref_squeeze %dma_start3A_414 : memref<1x128xi32, #tpu.memory_space<vmem>> -> memref<128xi32, #tpu.memory_space<vmem>>
        %dma_start3A_416 = arith.constant 0 : i32
        %dma_start3A_417 = arith.constant 0 : i32
        %dma_start3A_418 = tpu.memref_slice %arg4[%arg0, %dma_start3A_416, %dma_start3A_417] : memref<2x10240x64xf32, #tpu.memory_space<hbm>> -> memref<1x10240x64xf32, #tpu.memory_space<hbm>>
        %dma_start3A_419 = tpu.memref_squeeze %dma_start3A_418 : memref<1x10240x64xf32, #tpu.memory_space<hbm>> -> memref<10240x64xf32, #tpu.memory_space<hbm>>
        %dma_start3A_420 = arith.constant 0 : i32
        %dma_start3A_421 = arith.constant 0 : i32
        %dma_start3A_422 = tpu.memref_slice %dma_start3A_419[%dma_start3A_420, %dma_start3A_421] : memref<10240x64xf32, #tpu.memory_space<hbm>> -> memref<10240x64xf32, #tpu.memory_space<hbm>>
        tpu.enqueue_indirect_dma source(%dma_start3A_422 : memref<10240x64xf32, #tpu.memory_space<hbm>>) target(%arg20 : memref<128x64xf32, #tpu.memory_space<vmem>>) offsets(%dma_start3A_415 : memref<128xi32, #tpu.memory_space<vmem>>) semaphore(%arg28 : memref<!tpu.dma_semaphore, #tpu.memory_space<semaphore_mem>>)
      } else {
      }
      %add3A_320 = arith.constant 5 : i32
      %add3A_321 = arith.addi %add3A_181, %add3A_320 : i32
      %mul3A_322 = arith.constant 160 : i32
      %mul3A_323 = arith.muli %arg1, %mul3A_322 : i32
      %add3A_324 = arith.addi %mul3A_323, %add3A_321 : i32
      %dma_wait3A_325 = arith.constant 0 : i32
      %dma_wait3A_326 = tpu.memref_slice %arg3[%add3A_324, %dma_wait3A_325] : memref<2560x128xi32, #tpu.memory_space<hbm>> -> memref<1x128xi32, #tpu.memory_space<hbm>>
      %dma_wait3A_327 = tpu.memref_squeeze %dma_wait3A_326 : memref<1x128xi32, #tpu.memory_space<hbm>> -> memref<128xi32, #tpu.memory_space<hbm>>
      %dma_wait3A_328 = arith.constant 0 : i32
      %dma_wait3A_329 = tpu.memref_slice %arg3[%add3A_324, %dma_wait3A_328] : memref<2560x128xi32, #tpu.memory_space<hbm>> -> memref<1x128xi32, #tpu.memory_space<hbm>>
      %dma_wait3A_330 = tpu.memref_squeeze %dma_wait3A_329 : memref<1x128xi32, #tpu.memory_space<hbm>> -> memref<128xi32, #tpu.memory_space<hbm>>
      tpu.wait_dma2 semaphore(%arg37 : memref<!tpu.dma_semaphore, #tpu.memory_space<semaphore_mem>>) src(%dma_wait3A_330 : memref<128xi32, #tpu.memory_space<hbm>>) dst(%arg13 : memref<128xi32, #tpu.memory_space<vmem>>)
      %dma_wait3A_331 = arith.constant 0 : i32
      %dma_wait3A_332 = tpu.memref_slice %arg7[%add3A_321, %dma_wait3A_331] : memref<160x128xi32, #tpu.memory_space<vmem>> -> memref<1x128xi32, #tpu.memory_space<vmem>>
      %dma_wait3A_333 = tpu.memref_squeeze %dma_wait3A_332 : memref<1x128xi32, #tpu.memory_space<vmem>> -> memref<128xi32, #tpu.memory_space<vmem>>
      %dma_wait3A_334 = arith.constant 0 : i32
      %dma_wait3A_335 = arith.constant 0 : i32
      %dma_wait3A_336 = tpu.memref_slice %arg4[%arg0, %dma_wait3A_334, %dma_wait3A_335] : memref<2x10240x64xf32, #tpu.memory_space<hbm>> -> memref<1x10240x64xf32, #tpu.memory_space<hbm>>
      %dma_wait3A_337 = tpu.memref_squeeze %dma_wait3A_336 : memref<1x10240x64xf32, #tpu.memory_space<hbm>> -> memref<10240x64xf32, #tpu.memory_space<hbm>>
      %dma_wait3A_338 = arith.constant 0 : i32
      %dma_wait3A_339 = arith.constant 0 : i32
      %dma_wait3A_340 = tpu.memref_slice %dma_wait3A_337[%dma_wait3A_338, %dma_wait3A_339] : memref<10240x64xf32, #tpu.memory_space<hbm>> -> memref<10240x64xf32, #tpu.memory_space<hbm>>
      tpu.wait_indirect_dma semaphore(%arg29 : memref<!tpu.dma_semaphore, #tpu.memory_space<semaphore_mem>>) src(%dma_wait3A_340 : memref<10240x64xf32, #tpu.memory_space<hbm>>) dst(%arg21 : memref<128x64xf32, #tpu.memory_space<vmem>>)
      "tpu.region"() ({
        %run_scoped3A = tpu.sem_alloc : memref<!tpu.dma_semaphore, #tpu.memory_space<semaphore_mem>>
        %dma_start3A_404 = arith.constant 0 : i32
        %dma_start3A_405 = arith.constant 0 : i32
        %dma_start3A_406 = tpu.memref_slice %arg40[%dma_start3A_404, %dma_start3A_405] : memref<10240x64xf32, #tpu.memory_space<vmem_shared>> -> memref<10240x64xf32, #tpu.memory_space<vmem_shared>>
        tpu.enqueue_indirect_dma source(%arg21 : memref<128x64xf32, #tpu.memory_space<vmem>>) target(%dma_start3A_406 : memref<10240x64xf32, #tpu.memory_space<vmem_shared>>) offsets(%arg13 : memref<128xi32, #tpu.memory_space<vmem>>) semaphore(%run_scoped3A : memref<!tpu.dma_semaphore, #tpu.memory_space<semaphore_mem>>) {add = true}
        %dma_wait3A_407 = arith.constant 0 : i32
        %dma_wait3A_408 = arith.constant 0 : i32
        %dma_wait3A_409 = tpu.memref_slice %arg40[%dma_wait3A_407, %dma_wait3A_408] : memref<10240x64xf32, #tpu.memory_space<vmem_shared>> -> memref<10240x64xf32, #tpu.memory_space<vmem_shared>>
        tpu.wait_indirect_dma semaphore(%run_scoped3A : memref<!tpu.dma_semaphore, #tpu.memory_space<semaphore_mem>>) src(%arg21 : memref<128x64xf32, #tpu.memory_space<vmem>>) dst(%dma_wait3A_409 : memref<10240x64xf32, #tpu.memory_space<vmem_shared>>)
        tpu.yield
      }) : () -> ()
      %add3A_341 = arith.constant 8 : i32
      %add3A_342 = arith.addi %add3A_321, %add3A_341 : i32
      %lt3A_343 = arith.constant 160 : i32
      %lt3A_344 = arith.cmpi slt, %add3A_342, %lt3A_343 : i32
      %convert_element_type3A_345 = arith.extui %lt3A_344 : i1 to i32
      %cond3A_346 = arith.constant 0 : i32
      %cond3A_347 = arith.cmpi ne, %convert_element_type3A_345, %cond3A_346 : i32
      scf.if %cond3A_347 {
        %mul3A_404 = arith.constant 160 : i32
        %mul3A_405 = arith.muli %arg1, %mul3A_404 : i32
        %add3A_406 = arith.addi %mul3A_405, %add3A_342 : i32
        %dma_start3A_407 = arith.constant 0 : i32
        %dma_start3A_408 = tpu.memref_slice %arg3[%add3A_406, %dma_start3A_407] : memref<2560x128xi32, #tpu.memory_space<hbm>> -> memref<1x128xi32, #tpu.memory_space<hbm>>
        %dma_start3A_409 = tpu.memref_squeeze %dma_start3A_408 : memref<1x128xi32, #tpu.memory_space<hbm>> -> memref<128xi32, #tpu.memory_space<hbm>>
        %dma_start3A_410 = arith.constant 0 : i32
        %dma_start3A_411 = tpu.memref_slice %arg3[%add3A_406, %dma_start3A_410] : memref<2560x128xi32, #tpu.memory_space<hbm>> -> memref<1x128xi32, #tpu.memory_space<hbm>>
        %dma_start3A_412 = tpu.memref_squeeze %dma_start3A_411 : memref<1x128xi32, #tpu.memory_space<hbm>> -> memref<128xi32, #tpu.memory_space<hbm>>
        tpu.enqueue_dma source(%dma_start3A_412 : memref<128xi32, #tpu.memory_space<hbm>>) target(%arg13 : memref<128xi32, #tpu.memory_space<vmem>>) target_semaphore(%arg37 : memref<!tpu.dma_semaphore, #tpu.memory_space<semaphore_mem>>)
        %dma_start3A_413 = arith.constant 0 : i32
        %dma_start3A_414 = tpu.memref_slice %arg7[%add3A_342, %dma_start3A_413] : memref<160x128xi32, #tpu.memory_space<vmem>> -> memref<1x128xi32, #tpu.memory_space<vmem>>
        %dma_start3A_415 = tpu.memref_squeeze %dma_start3A_414 : memref<1x128xi32, #tpu.memory_space<vmem>> -> memref<128xi32, #tpu.memory_space<vmem>>
        %dma_start3A_416 = arith.constant 0 : i32
        %dma_start3A_417 = arith.constant 0 : i32
        %dma_start3A_418 = tpu.memref_slice %arg4[%arg0, %dma_start3A_416, %dma_start3A_417] : memref<2x10240x64xf32, #tpu.memory_space<hbm>> -> memref<1x10240x64xf32, #tpu.memory_space<hbm>>
        %dma_start3A_419 = tpu.memref_squeeze %dma_start3A_418 : memref<1x10240x64xf32, #tpu.memory_space<hbm>> -> memref<10240x64xf32, #tpu.memory_space<hbm>>
        %dma_start3A_420 = arith.constant 0 : i32
        %dma_start3A_421 = arith.constant 0 : i32
        %dma_start3A_422 = tpu.memref_slice %dma_start3A_419[%dma_start3A_420, %dma_start3A_421] : memref<10240x64xf32, #tpu.memory_space<hbm>> -> memref<10240x64xf32, #tpu.memory_space<hbm>>
        tpu.enqueue_indirect_dma source(%dma_start3A_422 : memref<10240x64xf32, #tpu.memory_space<hbm>>) target(%arg21 : memref<128x64xf32, #tpu.memory_space<vmem>>) offsets(%dma_start3A_415 : memref<128xi32, #tpu.memory_space<vmem>>) semaphore(%arg29 : memref<!tpu.dma_semaphore, #tpu.memory_space<semaphore_mem>>)
      } else {
      }
      %add3A_348 = arith.constant 6 : i32
      %add3A_349 = arith.addi %add3A_181, %add3A_348 : i32
      %mul3A_350 = arith.constant 160 : i32
      %mul3A_351 = arith.muli %arg1, %mul3A_350 : i32
      %add3A_352 = arith.addi %mul3A_351, %add3A_349 : i32
      %dma_wait3A_353 = arith.constant 0 : i32
      %dma_wait3A_354 = tpu.memref_slice %arg3[%add3A_352, %dma_wait3A_353] : memref<2560x128xi32, #tpu.memory_space<hbm>> -> memref<1x128xi32, #tpu.memory_space<hbm>>
      %dma_wait3A_355 = tpu.memref_squeeze %dma_wait3A_354 : memref<1x128xi32, #tpu.memory_space<hbm>> -> memref<128xi32, #tpu.memory_space<hbm>>
      %dma_wait3A_356 = arith.constant 0 : i32
      %dma_wait3A_357 = tpu.memref_slice %arg3[%add3A_352, %dma_wait3A_356] : memref<2560x128xi32, #tpu.memory_space<hbm>> -> memref<1x128xi32, #tpu.memory_space<hbm>>
      %dma_wait3A_358 = tpu.memref_squeeze %dma_wait3A_357 : memref<1x128xi32, #tpu.memory_space<hbm>> -> memref<128xi32, #tpu.memory_space<hbm>>
      tpu.wait_dma2 semaphore(%arg38 : memref<!tpu.dma_semaphore, #tpu.memory_space<semaphore_mem>>) src(%dma_wait3A_358 : memref<128xi32, #tpu.memory_space<hbm>>) dst(%arg14 : memref<128xi32, #tpu.memory_space<vmem>>)
      %dma_wait3A_359 = arith.constant 0 : i32
      %dma_wait3A_360 = tpu.memref_slice %arg7[%add3A_349, %dma_wait3A_359] : memref<160x128xi32, #tpu.memory_space<vmem>> -> memref<1x128xi32, #tpu.memory_space<vmem>>
      %dma_wait3A_361 = tpu.memref_squeeze %dma_wait3A_360 : memref<1x128xi32, #tpu.memory_space<vmem>> -> memref<128xi32, #tpu.memory_space<vmem>>
      %dma_wait3A_362 = arith.constant 0 : i32
      %dma_wait3A_363 = arith.constant 0 : i32
      %dma_wait3A_364 = tpu.memref_slice %arg4[%arg0, %dma_wait3A_362, %dma_wait3A_363] : memref<2x10240x64xf32, #tpu.memory_space<hbm>> -> memref<1x10240x64xf32, #tpu.memory_space<hbm>>
      %dma_wait3A_365 = tpu.memref_squeeze %dma_wait3A_364 : memref<1x10240x64xf32, #tpu.memory_space<hbm>> -> memref<10240x64xf32, #tpu.memory_space<hbm>>
      %dma_wait3A_366 = arith.constant 0 : i32
      %dma_wait3A_367 = arith.constant 0 : i32
      %dma_wait3A_368 = tpu.memref_slice %dma_wait3A_365[%dma_wait3A_366, %dma_wait3A_367] : memref<10240x64xf32, #tpu.memory_space<hbm>> -> memref<10240x64xf32, #tpu.memory_space<hbm>>
      tpu.wait_indirect_dma semaphore(%arg30 : memref<!tpu.dma_semaphore, #tpu.memory_space<semaphore_mem>>) src(%dma_wait3A_368 : memref<10240x64xf32, #tpu.memory_space<hbm>>) dst(%arg22 : memref<128x64xf32, #tpu.memory_space<vmem>>)
      "tpu.region"() ({
        %run_scoped3A = tpu.sem_alloc : memref<!tpu.dma_semaphore, #tpu.memory_space<semaphore_mem>>
        %dma_start3A_404 = arith.constant 0 : i32
        %dma_start3A_405 = arith.constant 0 : i32
        %dma_start3A_406 = tpu.memref_slice %arg40[%dma_start3A_404, %dma_start3A_405] : memref<10240x64xf32, #tpu.memory_space<vmem_shared>> -> memref<10240x64xf32, #tpu.memory_space<vmem_shared>>
        tpu.enqueue_indirect_dma source(%arg22 : memref<128x64xf32, #tpu.memory_space<vmem>>) target(%dma_start3A_406 : memref<10240x64xf32, #tpu.memory_space<vmem_shared>>) offsets(%arg14 : memref<128xi32, #tpu.memory_space<vmem>>) semaphore(%run_scoped3A : memref<!tpu.dma_semaphore, #tpu.memory_space<semaphore_mem>>) {add = true}
        %dma_wait3A_407 = arith.constant 0 : i32
        %dma_wait3A_408 = arith.constant 0 : i32
        %dma_wait3A_409 = tpu.memref_slice %arg40[%dma_wait3A_407, %dma_wait3A_408] : memref<10240x64xf32, #tpu.memory_space<vmem_shared>> -> memref<10240x64xf32, #tpu.memory_space<vmem_shared>>
        tpu.wait_indirect_dma semaphore(%run_scoped3A : memref<!tpu.dma_semaphore, #tpu.memory_space<semaphore_mem>>) src(%arg22 : memref<128x64xf32, #tpu.memory_space<vmem>>) dst(%dma_wait3A_409 : memref<10240x64xf32, #tpu.memory_space<vmem_shared>>)
        tpu.yield
      }) : () -> ()
      %add3A_369 = arith.constant 8 : i32
      %add3A_370 = arith.addi %add3A_349, %add3A_369 : i32
      %lt3A_371 = arith.constant 160 : i32
      %lt3A_372 = arith.cmpi slt, %add3A_370, %lt3A_371 : i32
      %convert_element_type3A_373 = arith.extui %lt3A_372 : i1 to i32
      %cond3A_374 = arith.constant 0 : i32
      %cond3A_375 = arith.cmpi ne, %convert_element_type3A_373, %cond3A_374 : i32
      scf.if %cond3A_375 {
        %mul3A_404 = arith.constant 160 : i32
        %mul3A_405 = arith.muli %arg1, %mul3A_404 : i32
        %add3A_406 = arith.addi %mul3A_405, %add3A_370 : i32
        %dma_start3A_407 = arith.constant 0 : i32
        %dma_start3A_408 = tpu.memref_slice %arg3[%add3A_406, %dma_start3A_407] : memref<2560x128xi32, #tpu.memory_space<hbm>> -> memref<1x128xi32, #tpu.memory_space<hbm>>
        %dma_start3A_409 = tpu.memref_squeeze %dma_start3A_408 : memref<1x128xi32, #tpu.memory_space<hbm>> -> memref<128xi32, #tpu.memory_space<hbm>>
        %dma_start3A_410 = arith.constant 0 : i32
        %dma_start3A_411 = tpu.memref_slice %arg3[%add3A_406, %dma_start3A_410] : memref<2560x128xi32, #tpu.memory_space<hbm>> -> memref<1x128xi32, #tpu.memory_space<hbm>>
        %dma_start3A_412 = tpu.memref_squeeze %dma_start3A_411 : memref<1x128xi32, #tpu.memory_space<hbm>> -> memref<128xi32, #tpu.memory_space<hbm>>
        tpu.enqueue_dma source(%dma_start3A_412 : memref<128xi32, #tpu.memory_space<hbm>>) target(%arg14 : memref<128xi32, #tpu.memory_space<vmem>>) target_semaphore(%arg38 : memref<!tpu.dma_semaphore, #tpu.memory_space<semaphore_mem>>)
        %dma_start3A_413 = arith.constant 0 : i32
        %dma_start3A_414 = tpu.memref_slice %arg7[%add3A_370, %dma_start3A_413] : memref<160x128xi32, #tpu.memory_space<vmem>> -> memref<1x128xi32, #tpu.memory_space<vmem>>
        %dma_start3A_415 = tpu.memref_squeeze %dma_start3A_414 : memref<1x128xi32, #tpu.memory_space<vmem>> -> memref<128xi32, #tpu.memory_space<vmem>>
        %dma_start3A_416 = arith.constant 0 : i32
        %dma_start3A_417 = arith.constant 0 : i32
        %dma_start3A_418 = tpu.memref_slice %arg4[%arg0, %dma_start3A_416, %dma_start3A_417] : memref<2x10240x64xf32, #tpu.memory_space<hbm>> -> memref<1x10240x64xf32, #tpu.memory_space<hbm>>
        %dma_start3A_419 = tpu.memref_squeeze %dma_start3A_418 : memref<1x10240x64xf32, #tpu.memory_space<hbm>> -> memref<10240x64xf32, #tpu.memory_space<hbm>>
        %dma_start3A_420 = arith.constant 0 : i32
        %dma_start3A_421 = arith.constant 0 : i32
        %dma_start3A_422 = tpu.memref_slice %dma_start3A_419[%dma_start3A_420, %dma_start3A_421] : memref<10240x64xf32, #tpu.memory_space<hbm>> -> memref<10240x64xf32, #tpu.memory_space<hbm>>
        tpu.enqueue_indirect_dma source(%dma_start3A_422 : memref<10240x64xf32, #tpu.memory_space<hbm>>) target(%arg22 : memref<128x64xf32, #tpu.memory_space<vmem>>) offsets(%dma_start3A_415 : memref<128xi32, #tpu.memory_space<vmem>>) semaphore(%arg30 : memref<!tpu.dma_semaphore, #tpu.memory_space<semaphore_mem>>)
      } else {
      }
      %add3A_376 = arith.constant 7 : i32
      %add3A_377 = arith.addi %add3A_181, %add3A_376 : i32
      %mul3A_378 = arith.constant 160 : i32
      %mul3A_379 = arith.muli %arg1, %mul3A_378 : i32
      %add3A_380 = arith.addi %mul3A_379, %add3A_377 : i32
      %dma_wait3A_381 = arith.constant 0 : i32
      %dma_wait3A_382 = tpu.memref_slice %arg3[%add3A_380, %dma_wait3A_381] : memref<2560x128xi32, #tpu.memory_space<hbm>> -> memref<1x128xi32, #tpu.memory_space<hbm>>
      %dma_wait3A_383 = tpu.memref_squeeze %dma_wait3A_382 : memref<1x128xi32, #tpu.memory_space<hbm>> -> memref<128xi32, #tpu.memory_space<hbm>>
      %dma_wait3A_384 = arith.constant 0 : i32
      %dma_wait3A_385 = tpu.memref_slice %arg3[%add3A_380, %dma_wait3A_384] : memref<2560x128xi32, #tpu.memory_space<hbm>> -> memref<1x128xi32, #tpu.memory_space<hbm>>
      %dma_wait3A_386 = tpu.memref_squeeze %dma_wait3A_385 : memref<1x128xi32, #tpu.memory_space<hbm>> -> memref<128xi32, #tpu.memory_space<hbm>>
      tpu.wait_dma2 semaphore(%arg39 : memref<!tpu.dma_semaphore, #tpu.memory_space<semaphore_mem>>) src(%dma_wait3A_386 : memref<128xi32, #tpu.memory_space<hbm>>) dst(%arg15 : memref<128xi32, #tpu.memory_space<vmem>>)
      %dma_wait3A_387 = arith.constant 0 : i32
      %dma_wait3A_388 = tpu.memref_slice %arg7[%add3A_377, %dma_wait3A_387] : memref<160x128xi32, #tpu.memory_space<vmem>> -> memref<1x128xi32, #tpu.memory_space<vmem>>
      %dma_wait3A_389 = tpu.memref_squeeze %dma_wait3A_388 : memref<1x128xi32, #tpu.memory_space<vmem>> -> memref<128xi32, #tpu.memory_space<vmem>>
      %dma_wait3A_390 = arith.constant 0 : i32
      %dma_wait3A_391 = arith.constant 0 : i32
      %dma_wait3A_392 = tpu.memref_slice %arg4[%arg0, %dma_wait3A_390, %dma_wait3A_391] : memref<2x10240x64xf32, #tpu.memory_space<hbm>> -> memref<1x10240x64xf32, #tpu.memory_space<hbm>>
      %dma_wait3A_393 = tpu.memref_squeeze %dma_wait3A_392 : memref<1x10240x64xf32, #tpu.memory_space<hbm>> -> memref<10240x64xf32, #tpu.memory_space<hbm>>
      %dma_wait3A_394 = arith.constant 0 : i32
      %dma_wait3A_395 = arith.constant 0 : i32
      %dma_wait3A_396 = tpu.memref_slice %dma_wait3A_393[%dma_wait3A_394, %dma_wait3A_395] : memref<10240x64xf32, #tpu.memory_space<hbm>> -> memref<10240x64xf32, #tpu.memory_space<hbm>>
      tpu.wait_indirect_dma semaphore(%arg31 : memref<!tpu.dma_semaphore, #tpu.memory_space<semaphore_mem>>) src(%dma_wait3A_396 : memref<10240x64xf32, #tpu.memory_space<hbm>>) dst(%arg23 : memref<128x64xf32, #tpu.memory_space<vmem>>)
      "tpu.region"() ({
        %run_scoped3A = tpu.sem_alloc : memref<!tpu.dma_semaphore, #tpu.memory_space<semaphore_mem>>
        %dma_start3A_404 = arith.constant 0 : i32
        %dma_start3A_405 = arith.constant 0 : i32
        %dma_start3A_406 = tpu.memref_slice %arg40[%dma_start3A_404, %dma_start3A_405] : memref<10240x64xf32, #tpu.memory_space<vmem_shared>> -> memref<10240x64xf32, #tpu.memory_space<vmem_shared>>
        tpu.enqueue_indirect_dma source(%arg23 : memref<128x64xf32, #tpu.memory_space<vmem>>) target(%dma_start3A_406 : memref<10240x64xf32, #tpu.memory_space<vmem_shared>>) offsets(%arg15 : memref<128xi32, #tpu.memory_space<vmem>>) semaphore(%run_scoped3A : memref<!tpu.dma_semaphore, #tpu.memory_space<semaphore_mem>>) {add = true}
        %dma_wait3A_407 = arith.constant 0 : i32
        %dma_wait3A_408 = arith.constant 0 : i32
        %dma_wait3A_409 = tpu.memref_slice %arg40[%dma_wait3A_407, %dma_wait3A_408] : memref<10240x64xf32, #tpu.memory_space<vmem_shared>> -> memref<10240x64xf32, #tpu.memory_space<vmem_shared>>
        tpu.wait_indirect_dma semaphore(%run_scoped3A : memref<!tpu.dma_semaphore, #tpu.memory_space<semaphore_mem>>) src(%arg23 : memref<128x64xf32, #tpu.memory_space<vmem>>) dst(%dma_wait3A_409 : memref<10240x64xf32, #tpu.memory_space<vmem_shared>>)
        tpu.yield
      }) : () -> ()
      %add3A_397 = arith.constant 8 : i32
      %add3A_398 = arith.addi %add3A_377, %add3A_397 : i32
      %lt3A_399 = arith.constant 160 : i32
      %lt3A_400 = arith.cmpi slt, %add3A_398, %lt3A_399 : i32
      %convert_element_type3A_401 = arith.extui %lt3A_400 : i1 to i32
      %cond3A_402 = arith.constant 0 : i32
      %cond3A_403 = arith.cmpi ne, %convert_element_type3A_401, %cond3A_402 : i32
      scf.if %cond3A_403 {
        %mul3A_404 = arith.constant 160 : i32
        %mul3A_405 = arith.muli %arg1, %mul3A_404 : i32
        %add3A_406 = arith.addi %mul3A_405, %add3A_398 : i32
        %dma_start3A_407 = arith.constant 0 : i32
        %dma_start3A_408 = tpu.memref_slice %arg3[%add3A_406, %dma_start3A_407] : memref<2560x128xi32, #tpu.memory_space<hbm>> -> memref<1x128xi32, #tpu.memory_space<hbm>>
        %dma_start3A_409 = tpu.memref_squeeze %dma_start3A_408 : memref<1x128xi32, #tpu.memory_space<hbm>> -> memref<128xi32, #tpu.memory_space<hbm>>
        %dma_start3A_410 = arith.constant 0 : i32
        %dma_start3A_411 = tpu.memref_slice %arg3[%add3A_406, %dma_start3A_410] : memref<2560x128xi32, #tpu.memory_space<hbm>> -> memref<1x128xi32, #tpu.memory_space<hbm>>
        %dma_start3A_412 = tpu.memref_squeeze %dma_start3A_411 : memref<1x128xi32, #tpu.memory_space<hbm>> -> memref<128xi32, #tpu.memory_space<hbm>>
        tpu.enqueue_dma source(%dma_start3A_412 : memref<128xi32, #tpu.memory_space<hbm>>) target(%arg15 : memref<128xi32, #tpu.memory_space<vmem>>) target_semaphore(%arg39 : memref<!tpu.dma_semaphore, #tpu.memory_space<semaphore_mem>>)
        %dma_start3A_413 = arith.constant 0 : i32
        %dma_start3A_414 = tpu.memref_slice %arg7[%add3A_398, %dma_start3A_413] : memref<160x128xi32, #tpu.memory_space<vmem>> -> memref<1x128xi32, #tpu.memory_space<vmem>>
        %dma_start3A_415 = tpu.memref_squeeze %dma_start3A_414 : memref<1x128xi32, #tpu.memory_space<vmem>> -> memref<128xi32, #tpu.memory_space<vmem>>
        %dma_start3A_416 = arith.constant 0 : i32
        %dma_start3A_417 = arith.constant 0 : i32
        %dma_start3A_418 = tpu.memref_slice %arg4[%arg0, %dma_start3A_416, %dma_start3A_417] : memref<2x10240x64xf32, #tpu.memory_space<hbm>> -> memref<1x10240x64xf32, #tpu.memory_space<hbm>>
        %dma_start3A_419 = tpu.memref_squeeze %dma_start3A_418 : memref<1x10240x64xf32, #tpu.memory_space<hbm>> -> memref<10240x64xf32, #tpu.memory_space<hbm>>
        %dma_start3A_420 = arith.constant 0 : i32
        %dma_start3A_421 = arith.constant 0 : i32
        %dma_start3A_422 = tpu.memref_slice %dma_start3A_419[%dma_start3A_420, %dma_start3A_421] : memref<10240x64xf32, #tpu.memory_space<hbm>> -> memref<10240x64xf32, #tpu.memory_space<hbm>>
        tpu.enqueue_indirect_dma source(%dma_start3A_422 : memref<10240x64xf32, #tpu.memory_space<hbm>>) target(%arg23 : memref<128x64xf32, #tpu.memory_space<vmem>>) offsets(%dma_start3A_415 : memref<128xi32, #tpu.memory_space<vmem>>) semaphore(%arg31 : memref<!tpu.dma_semaphore, #tpu.memory_space<semaphore_mem>>)
      } else {
      }
    }
    %scan3A_170 = arith.constant 20 : i32
    %barrier3A_171 = arith.constant 0 : index
    tpu.barrier barrier_id(%barrier3A_171)
    %eq3A_172 = arith.constant 0 : i32
    %eq3A_173 = arith.cmpi eq, %arg1, %eq3A_172 : i32
    %convert_element_type3A_174 = arith.extui %eq3A_173 : i1 to i32
    %cond3A_175 = arith.constant 0 : i32
    %cond3A_176 = arith.cmpi ne, %convert_element_type3A_174, %cond3A_175 : i32
    scf.if %cond3A_176 {
      "tpu.region"() ({
        %run_scoped3A = tpu.sem_alloc : memref<!tpu.dma_semaphore, #tpu.memory_space<semaphore_mem>>
        %dma_start3A_177 = arith.constant 0 : i32
        %dma_start3A_178 = arith.constant 0 : i32
        %dma_start3A_179 = tpu.memref_slice %arg6[%arg0, %dma_start3A_177, %dma_start3A_178] : memref<2x10240x64xf32, #tpu.memory_space<hbm>> -> memref<1x10240x64xf32, #tpu.memory_space<hbm>>
        %dma_start3A_180 = tpu.memref_squeeze %dma_start3A_179 : memref<1x10240x64xf32, #tpu.memory_space<hbm>> -> memref<10240x64xf32, #tpu.memory_space<hbm>>
        tpu.enqueue_dma source(%arg40 : memref<10240x64xf32, #tpu.memory_space<vmem_shared>>) target(%dma_start3A_180 : memref<10240x64xf32, #tpu.memory_space<hbm>>) target_semaphore(%run_scoped3A : memref<!tpu.dma_semaphore, #tpu.memory_space<semaphore_mem>>)
        %dma_wait3A = arith.constant 0 : i32
        %dma_wait3A_181 = arith.constant 0 : i32
        %dma_wait3A_182 = tpu.memref_slice %arg6[%arg0, %dma_wait3A, %dma_wait3A_181] : memref<2x10240x64xf32, #tpu.memory_space<hbm>> -> memref<1x10240x64xf32, #tpu.memory_space<hbm>>
        %dma_wait3A_183 = tpu.memref_squeeze %dma_wait3A_182 : memref<1x10240x64xf32, #tpu.memory_space<hbm>> -> memref<10240x64xf32, #tpu.memory_space<hbm>>
        tpu.wait_dma2 semaphore(%run_scoped3A : memref<!tpu.dma_semaphore, #tpu.memory_space<semaphore_mem>>) src(%arg40 : memref<10240x64xf32, #tpu.memory_space<vmem_shared>>) dst(%dma_wait3A_183 : memref<10240x64xf32, #tpu.memory_space<hbm>>)
        tpu.yield
      }) : () -> ()
    } else {
    }
    return
  }
}

module attributes {stable_mosaic.version = 14 : i64} {
  func.func @_mm_body(%arg0: i32, %arg1: memref<512x2x128xf32, #tpu.memory_space<vmem>>, %arg2: memref<2x512x2xf32, #tpu.memory_space<vmem>>, %arg3: memref<128x128xf32, #tpu.memory_space<vmem>>, %arg4: memref<2x512x128xf32, #tpu.memory_space<vmem>>) attributes {dimension_semantics = [#tpu.dimension_semantics<arbitrary>], iteration_bounds = array<i64: 10>, scalar_prefetch = 0 : i64, scratch_operands = 0 : i64, tpu.core_type = #tpu.core_type<tc>, window_params = [{transform_indices = @transform_0, window_bounds = array<i64: 512, 2, 128>}, {transform_indices = @transform_1, window_bounds = array<i64: 2, 512, 2>}, {pipeline_mode = #tpu.pipeline_mode<synchronous>, transform_indices = @transform_2, window_bounds = array<i64: 128, 128>}, {transform_indices = @transform_3, window_bounds = array<i64: 2, 512, 128>}]} {
    %get3A = arith.constant 0 : index
    %get3A_0 = arith.constant 0 : index
    %get3A_1 = arith.constant 0 : index
    %get3A_2 = vector.load %arg2[%get3A, %get3A_0, %get3A_1] : memref<2x512x2xf32, #tpu.memory_space<vmem>>, vector<1x512x1xf32>
    %get3A_3 = vector.shape_cast %get3A_2 : vector<1x512x1xf32> to vector<512xf32>
    %get3A_4 = arith.constant 1 : index
    %get3A_5 = arith.constant 0 : index
    %get3A_6 = arith.constant 0 : index
    %get3A_7 = vector.load %arg2[%get3A_4, %get3A_5, %get3A_6] : memref<2x512x2xf32, #tpu.memory_space<vmem>>, vector<1x512x1xf32>
    %get3A_8 = vector.shape_cast %get3A_7 : vector<1x512x1xf32> to vector<512xf32>
    %add3A = arith.addf %get3A_3, %get3A_8 : vector<512xf32>
    %add3A_9 = arith.constant 1.000000e+00 : f32
    %add3A_10 = vector.broadcast %add3A_9 : f32 to vector<512xf32>
    %add3A_11 = arith.addf %add3A, %add3A_10 : vector<512xf32>
    %get3A_12 = arith.constant 0 : index
    %get3A_13 = arith.constant 0 : index
    %get3A_14 = arith.constant 1 : index
    %get3A_15 = vector.load %arg2[%get3A_12, %get3A_13, %get3A_14] : memref<2x512x2xf32, #tpu.memory_space<vmem>>, vector<1x512x1xf32>
    %get3A_16 = vector.shape_cast %get3A_15 : vector<1x512x1xf32> to vector<512xf32>
    %get3A_17 = arith.constant 1 : index
    %get3A_18 = arith.constant 0 : index
    %get3A_19 = arith.constant 1 : index
    %get3A_20 = vector.load %arg2[%get3A_17, %get3A_18, %get3A_19] : memref<2x512x2xf32, #tpu.memory_space<vmem>>, vector<1x512x1xf32>
    %get3A_21 = vector.shape_cast %get3A_20 : vector<1x512x1xf32> to vector<512xf32>
    %add3A_22 = arith.addf %get3A_16, %get3A_21 : vector<512xf32>
    %add3A_23 = arith.constant 1.000000e+00 : f32
    %add3A_24 = vector.broadcast %add3A_23 : f32 to vector<512xf32>
    %add3A_25 = arith.addf %add3A_22, %add3A_24 : vector<512xf32>
    %max3A = arith.constant 1.000000e+00 : f32
    %max3A_26 = vector.broadcast %max3A : f32 to vector<512xf32>
    %max3A_27 = arith.maximumf %add3A_11, %max3A_26 : vector<512xf32>
    %rsqrt3A = math.rsqrt %max3A_27 : vector<512xf32>
    %max3A_28 = arith.constant 1.000000e+00 : f32
    %max3A_29 = vector.broadcast %max3A_28 : f32 to vector<512xf32>
    %max3A_30 = arith.maximumf %add3A_25, %max3A_29 : vector<512xf32>
    %rsqrt3A_31 = math.rsqrt %max3A_30 : vector<512xf32>
    %get3A_32 = arith.constant 0 : index
    %get3A_33 = arith.constant 0 : index
    %get3A_34 = arith.constant 0 : index
    %get3A_35 = vector.load %arg1[%get3A_32, %get3A_33, %get3A_34] : memref<512x2x128xf32, #tpu.memory_space<vmem>>, vector<512x1x128xf32>
    %get3A_36 = vector.shape_cast %get3A_35 : vector<512x1x128xf32> to vector<512x128xf32>
    %get3A_37 = arith.constant 0 : index
    %get3A_38 = arith.constant 0 : index
    %get3A_39 = vector.load %arg3[%get3A_37, %get3A_38] : memref<128x128xf32, #tpu.memory_space<vmem>>, vector<128x128xf32>
    %dot_general3A = arith.constant dense<0.000000e+00> : vector<512x128xf32>
    %dot_general3A_40 = tpu.matmul %get3A_36, %get3A_39, %dot_general3A {dimension_numbers = #tpu.dot_dimension_numbers<[1], [0], [0], [1], [0, 0, 1, 1], [], []>, transpose_lhs_hint = false} : vector<512x128xf32>, vector<128x128xf32>, vector<512x128xf32> -> vector<512x128xf32>
    %get3A_41 = arith.constant 0 : index
    %get3A_42 = arith.constant 1 : index
    %get3A_43 = arith.constant 0 : index
    %get3A_44 = vector.load %arg1[%get3A_41, %get3A_42, %get3A_43] : memref<512x2x128xf32, #tpu.memory_space<vmem>>, vector<512x1x128xf32>
    %get3A_45 = vector.shape_cast %get3A_44 : vector<512x1x128xf32> to vector<512x128xf32>
    %get3A_46 = arith.constant 0 : index
    %get3A_47 = arith.constant 0 : index
    %get3A_48 = vector.load %arg3[%get3A_46, %get3A_47] : memref<128x128xf32, #tpu.memory_space<vmem>>, vector<128x128xf32>
    %dot_general3A_49 = arith.constant dense<0.000000e+00> : vector<512x128xf32>
    %dot_general3A_50 = tpu.matmul %get3A_45, %get3A_48, %dot_general3A_49 {dimension_numbers = #tpu.dot_dimension_numbers<[1], [0], [0], [1], [0, 0, 1, 1], [], []>, transpose_lhs_hint = false} : vector<512x128xf32>, vector<128x128xf32>, vector<512x128xf32> -> vector<512x128xf32>
    %broadcast_in_dim3A = vector.shape_cast %rsqrt3A : vector<512xf32> to vector<512x1xf32>
    %mul3A = vector.broadcast %broadcast_in_dim3A : vector<512x1xf32> to vector<512x128xf32>
    %mul3A_51 = arith.mulf %dot_general3A_40, %mul3A : vector<512x128xf32>
    %broadcast_in_dim3A_52 = vector.shape_cast %rsqrt3A_31 : vector<512xf32> to vector<512x1xf32>
    %mul3A_53 = vector.broadcast %broadcast_in_dim3A_52 : vector<512x1xf32> to vector<512x128xf32>
    %mul3A_54 = arith.mulf %dot_general3A_50, %mul3A_53 : vector<512x128xf32>
    %slice3A = vector.extract_strided_slice %mul3A_51 {offsets = [0, 0], sizes = [512, 64], strides = [1, 1]} : vector<512x128xf32> to vector<512x64xf32>
    %slice3A_55 = vector.extract_strided_slice %mul3A_54 {offsets = [0, 0], sizes = [512, 64], strides = [1, 1]} : vector<512x128xf32> to vector<512x64xf32>
    %concatenate3A = tpu.concatenate %slice3A, %slice3A_55 in 1 : vector<512x64xf32>, vector<512x64xf32> -> vector<512x128xf32>
    %swap3A = arith.constant 0 : index
    %swap3A_56 = arith.constant 0 : index
    %swap3A_57 = arith.constant 0 : index
    %swap3A_58 = vector.load %arg4[%swap3A, %swap3A_56, %swap3A_57] : memref<2x512x128xf32, #tpu.memory_space<vmem>>, vector<1x512x128xf32>
    %swap3A_59 = vector.shape_cast %swap3A_58 : vector<1x512x128xf32> to vector<512x128xf32>
    %swap3A_60 = vector.shape_cast %concatenate3A : vector<512x128xf32> to vector<1x512x128xf32>
    tpu.vector_store %arg4[%swap3A, %swap3A_56, %swap3A_57], %swap3A_60 {strides = array<i32>} : memref<2x512x128xf32, #tpu.memory_space<vmem>>, vector<1x512x128xf32>,
    %slice3A_61 = vector.extract_strided_slice %mul3A_51 {offsets = [0, 64], sizes = [512, 64], strides = [1, 1]} : vector<512x128xf32> to vector<512x64xf32>
    %slice3A_62 = vector.extract_strided_slice %mul3A_54 {offsets = [0, 64], sizes = [512, 64], strides = [1, 1]} : vector<512x128xf32> to vector<512x64xf32>
    %concatenate3A_63 = tpu.concatenate %slice3A_61, %slice3A_62 in 1 : vector<512x64xf32>, vector<512x64xf32> -> vector<512x128xf32>
    %swap3A_64 = arith.constant 1 : index
    %swap3A_65 = arith.constant 0 : index
    %swap3A_66 = arith.constant 0 : index
    %swap3A_67 = vector.load %arg4[%swap3A_64, %swap3A_65, %swap3A_66] : memref<2x512x128xf32, #tpu.memory_space<vmem>>, vector<1x512x128xf32>
    %swap3A_68 = vector.shape_cast %swap3A_67 : vector<1x512x128xf32> to vector<512x128xf32>
    %swap3A_69 = vector.shape_cast %concatenate3A_63 : vector<512x128xf32> to vector<1x512x128xf32>
    tpu.vector_store %arg4[%swap3A_64, %swap3A_65, %swap3A_66], %swap3A_69 {strides = array<i32>} : memref<2x512x128xf32, #tpu.memory_space<vmem>>, vector<1x512x128xf32>,
    return
  }
  func.func @transform_0(%arg0: i32) -> (i32, i32, i32) {
    %c0_i32 = arith.constant 0 : i32
    %c0_i32_0 = arith.constant 0 : i32
    %c0_i32_1 = arith.constant 0 : i32
    return %arg0, %c0_i32, %c0_i32_0 : i32, i32, i32
  }
  func.func @transform_1(%arg0: i32) -> (i32, i32, i32) {
    %c0_i32 = arith.constant 0 : i32
    %c0_i32_0 = arith.constant 0 : i32
    %c0_i32_1 = arith.constant 0 : i32
    return %c0_i32, %arg0, %c0_i32_0 : i32, i32, i32
  }
  func.func @transform_2(%arg0: i32) -> (i32, i32) {
    %c0_i32 = arith.constant 0 : i32
    %c0_i32_0 = arith.constant 0 : i32
    %c0_i32_1 = arith.constant 0 : i32
    return %c0_i32, %c0_i32_0 : i32, i32
  }
  func.func @transform_3(%arg0: i32) -> (i32, i32, i32) {
    %c0_i32 = arith.constant 0 : i32
    %c0_i32_0 = arith.constant 0 : i32
    %c0_i32_1 = arith.constant 0 : i32
    return %c0_i32, %arg0, %c0_i32_0 : i32, i32, i32
  }
}

module attributes {stable_mosaic.version = 14 : i64} {
  func.func @_ep_body(%arg0: i32, %arg1: memref<2x512x128xf32, #tpu.memory_space<vmem>>, %arg2: memref<2x512x128xf32, #tpu.memory_space<vmem>>, %arg3: memref<2x512x2xf32, #tpu.memory_space<vmem>>, %arg4: memref<1x128xf32, #tpu.memory_space<vmem>>, %arg5: memref<128x64xf32, #tpu.memory_space<vmem>>, %arg6: memref<1x64xf32, #tpu.memory_space<vmem>>, %arg7: memref<512x128xf32, #tpu.memory_space<vmem>>) attributes {dimension_semantics = [#tpu.dimension_semantics<arbitrary>], iteration_bounds = array<i64: 10>, scalar_prefetch = 0 : i64, scratch_operands = 0 : i64, tpu.core_type = #tpu.core_type<tc>, window_params = [{transform_indices = @transform_0, window_bounds = array<i64: 2, 512, 128>}, {transform_indices = @transform_1, window_bounds = array<i64: 2, 512, 128>}, {transform_indices = @transform_2, window_bounds = array<i64: 2, 512, 2>}, {pipeline_mode = #tpu.pipeline_mode<synchronous>, transform_indices = @transform_3, window_bounds = array<i64: 1, 128>}, {pipeline_mode = #tpu.pipeline_mode<synchronous>, transform_indices = @transform_4, window_bounds = array<i64: 128, 64>}, {pipeline_mode = #tpu.pipeline_mode<synchronous>, transform_indices = @transform_5, window_bounds = array<i64: 1, 64>}, {transform_indices = @transform_6, window_bounds = array<i64: 512, 128>}]} {
    %get3A = arith.constant 0 : index
    %get3A_0 = arith.constant 0 : index
    %get3A_1 = arith.constant 0 : index
    %get3A_2 = vector.load %arg3[%get3A, %get3A_0, %get3A_1] : memref<2x512x2xf32, #tpu.memory_space<vmem>>, vector<1x512x1xf32>
    %get3A_3 = vector.shape_cast %get3A_2 : vector<1x512x1xf32> to vector<512xf32>
    %get3A_4 = arith.constant 1 : index
    %get3A_5 = arith.constant 0 : index
    %get3A_6 = arith.constant 0 : index
    %get3A_7 = vector.load %arg3[%get3A_4, %get3A_5, %get3A_6] : memref<2x512x2xf32, #tpu.memory_space<vmem>>, vector<1x512x1xf32>
    %get3A_8 = vector.shape_cast %get3A_7 : vector<1x512x1xf32> to vector<512xf32>
    %add3A = arith.addf %get3A_3, %get3A_8 : vector<512xf32>
    %add3A_9 = arith.constant 1.000000e+00 : f32
    %add3A_10 = vector.broadcast %add3A_9 : f32 to vector<512xf32>
    %add3A_11 = arith.addf %add3A, %add3A_10 : vector<512xf32>
    %get3A_12 = arith.constant 0 : index
    %get3A_13 = arith.constant 0 : index
    %get3A_14 = arith.constant 1 : index
    %get3A_15 = vector.load %arg3[%get3A_12, %get3A_13, %get3A_14] : memref<2x512x2xf32, #tpu.memory_space<vmem>>, vector<1x512x1xf32>
    %get3A_16 = vector.shape_cast %get3A_15 : vector<1x512x1xf32> to vector<512xf32>
    %get3A_17 = arith.constant 1 : index
    %get3A_18 = arith.constant 0 : index
    %get3A_19 = arith.constant 1 : index
    %get3A_20 = vector.load %arg3[%get3A_17, %get3A_18, %get3A_19] : memref<2x512x2xf32, #tpu.memory_space<vmem>>, vector<1x512x1xf32>
    %get3A_21 = vector.shape_cast %get3A_20 : vector<1x512x1xf32> to vector<512xf32>
    %add3A_22 = arith.addf %get3A_16, %get3A_21 : vector<512xf32>
    %add3A_23 = arith.constant 1.000000e+00 : f32
    %add3A_24 = vector.broadcast %add3A_23 : f32 to vector<512xf32>
    %add3A_25 = arith.addf %add3A_22, %add3A_24 : vector<512xf32>
    %max3A = arith.constant 1.000000e+00 : f32
    %max3A_26 = vector.broadcast %max3A : f32 to vector<512xf32>
    %max3A_27 = arith.maximumf %add3A_11, %max3A_26 : vector<512xf32>
    %rsqrt3A = math.rsqrt %max3A_27 : vector<512xf32>
    %max3A_28 = arith.constant 1.000000e+00 : f32
    %max3A_29 = vector.broadcast %max3A_28 : f32 to vector<512xf32>
    %max3A_30 = arith.maximumf %add3A_25, %max3A_29 : vector<512xf32>
    %rsqrt3A_31 = math.rsqrt %max3A_30 : vector<512xf32>
    %get3A_32 = arith.constant 0 : index
    %get3A_33 = arith.constant 0 : index
    %get3A_34 = arith.constant 0 : index
    %get3A_35 = vector.load %arg1[%get3A_32, %get3A_33, %get3A_34] : memref<2x512x128xf32, #tpu.memory_space<vmem>>, vector<1x512x128xf32>
    %get3A_36 = vector.shape_cast %get3A_35 : vector<1x512x128xf32> to vector<512x128xf32>
    %slice3A = vector.extract_strided_slice %get3A_36 {offsets = [0, 0], sizes = [512, 64], strides = [1, 1]} : vector<512x128xf32> to vector<512x64xf32>
    %get3A_37 = arith.constant 0 : index
    %get3A_38 = arith.constant 0 : index
    %get3A_39 = arith.constant 0 : index
    %get3A_40 = vector.load %arg2[%get3A_37, %get3A_38, %get3A_39] : memref<2x512x128xf32, #tpu.memory_space<vmem>>, vector<1x512x128xf32>
    %get3A_41 = vector.shape_cast %get3A_40 : vector<1x512x128xf32> to vector<512x128xf32>
    %slice3A_42 = vector.extract_strided_slice %get3A_41 {offsets = [0, 0], sizes = [512, 64], strides = [1, 1]} : vector<512x128xf32> to vector<512x64xf32>
    %add3A_43 = arith.addf %slice3A, %slice3A_42 : vector<512x64xf32>
    %get3A_44 = arith.constant 1 : index
    %get3A_45 = arith.constant 0 : index
    %get3A_46 = arith.constant 0 : index
    %get3A_47 = vector.load %arg1[%get3A_44, %get3A_45, %get3A_46] : memref<2x512x128xf32, #tpu.memory_space<vmem>>, vector<1x512x128xf32>
    %get3A_48 = vector.shape_cast %get3A_47 : vector<1x512x128xf32> to vector<512x128xf32>
    %slice3A_49 = vector.extract_strided_slice %get3A_48 {offsets = [0, 0], sizes = [512, 64], strides = [1, 1]} : vector<512x128xf32> to vector<512x64xf32>
    %get3A_50 = arith.constant 1 : index
    %get3A_51 = arith.constant 0 : index
    %get3A_52 = arith.constant 0 : index
    %get3A_53 = vector.load %arg2[%get3A_50, %get3A_51, %get3A_52] : memref<2x512x128xf32, #tpu.memory_space<vmem>>, vector<1x512x128xf32>
    %get3A_54 = vector.shape_cast %get3A_53 : vector<1x512x128xf32> to vector<512x128xf32>
    %slice3A_55 = vector.extract_strided_slice %get3A_54 {offsets = [0, 0], sizes = [512, 64], strides = [1, 1]} : vector<512x128xf32> to vector<512x64xf32>
    %add3A_56 = arith.addf %slice3A_49, %slice3A_55 : vector<512x64xf32>
    %concatenate3A = tpu.concatenate %add3A_43, %add3A_56 in 1 : vector<512x64xf32>, vector<512x64xf32> -> vector<512x128xf32>
    %get3A_57 = arith.constant 0 : index
    %get3A_58 = arith.constant 0 : index
    %get3A_59 = arith.constant 0 : index
    %get3A_60 = vector.load %arg1[%get3A_57, %get3A_58, %get3A_59] : memref<2x512x128xf32, #tpu.memory_space<vmem>>, vector<1x512x128xf32>
    %get3A_61 = vector.shape_cast %get3A_60 : vector<1x512x128xf32> to vector<512x128xf32>
    %slice3A_62 = vector.extract_strided_slice %get3A_61 {offsets = [0, 64], sizes = [512, 64], strides = [1, 1]} : vector<512x128xf32> to vector<512x64xf32>
    %get3A_63 = arith.constant 0 : index
    %get3A_64 = arith.constant 0 : index
    %get3A_65 = arith.constant 0 : index
    %get3A_66 = vector.load %arg2[%get3A_63, %get3A_64, %get3A_65] : memref<2x512x128xf32, #tpu.memory_space<vmem>>, vector<1x512x128xf32>
    %get3A_67 = vector.shape_cast %get3A_66 : vector<1x512x128xf32> to vector<512x128xf32>
    %slice3A_68 = vector.extract_strided_slice %get3A_67 {offsets = [0, 64], sizes = [512, 64], strides = [1, 1]} : vector<512x128xf32> to vector<512x64xf32>
    %add3A_69 = arith.addf %slice3A_62, %slice3A_68 : vector<512x64xf32>
    %get3A_70 = arith.constant 1 : index
    %get3A_71 = arith.constant 0 : index
    %get3A_72 = arith.constant 0 : index
    %get3A_73 = vector.load %arg1[%get3A_70, %get3A_71, %get3A_72] : memref<2x512x128xf32, #tpu.memory_space<vmem>>, vector<1x512x128xf32>
    %get3A_74 = vector.shape_cast %get3A_73 : vector<1x512x128xf32> to vector<512x128xf32>
    %slice3A_75 = vector.extract_strided_slice %get3A_74 {offsets = [0, 64], sizes = [512, 64], strides = [1, 1]} : vector<512x128xf32> to vector<512x64xf32>
    %get3A_76 = arith.constant 1 : index
    %get3A_77 = arith.constant 0 : index
    %get3A_78 = arith.constant 0 : index
    %get3A_79 = vector.load %arg2[%get3A_76, %get3A_77, %get3A_78] : memref<2x512x128xf32, #tpu.memory_space<vmem>>, vector<1x512x128xf32>
    %get3A_80 = vector.shape_cast %get3A_79 : vector<1x512x128xf32> to vector<512x128xf32>
    %slice3A_81 = vector.extract_strided_slice %get3A_80 {offsets = [0, 64], sizes = [512, 64], strides = [1, 1]} : vector<512x128xf32> to vector<512x64xf32>
    %add3A_82 = arith.addf %slice3A_75, %slice3A_81 : vector<512x64xf32>
    %concatenate3A_83 = tpu.concatenate %add3A_69, %add3A_82 in 1 : vector<512x64xf32>, vector<512x64xf32> -> vector<512x128xf32>
    %broadcast_in_dim3A = vector.shape_cast %rsqrt3A : vector<512xf32> to vector<512x1xf32>
    %mul3A = vector.broadcast %broadcast_in_dim3A : vector<512x1xf32> to vector<512x128xf32>
    %mul3A_84 = arith.mulf %mul3A, %concatenate3A : vector<512x128xf32>
    %get3A_85 = arith.constant 0 : index
    %get3A_86 = arith.constant 0 : index
    %get3A_87 = vector.load %arg4[%get3A_85, %get3A_86] : memref<1x128xf32, #tpu.memory_space<vmem>>, vector<1x128xf32>
    %get3A_88 = vector.shape_cast %get3A_87 : vector<1x128xf32> to vector<128xf32>
    %broadcast_in_dim3A_89 = vector.shape_cast %get3A_88 : vector<128xf32> to vector<1x128xf32>
    %add3A_90 = vector.broadcast %broadcast_in_dim3A_89 : vector<1x128xf32> to vector<512x128xf32>
    %add3A_91 = arith.addf %mul3A_84, %add3A_90 : vector<512x128xf32>
    %broadcast_in_dim3A_92 = vector.shape_cast %rsqrt3A_31 : vector<512xf32> to vector<512x1xf32>
    %mul3A_93 = vector.broadcast %broadcast_in_dim3A_92 : vector<512x1xf32> to vector<512x128xf32>
    %mul3A_94 = arith.mulf %mul3A_93, %concatenate3A_83 : vector<512x128xf32>
    %get3A_95 = arith.constant 0 : index
    %get3A_96 = arith.constant 0 : index
    %get3A_97 = vector.load %arg4[%get3A_95, %get3A_96] : memref<1x128xf32, #tpu.memory_space<vmem>>, vector<1x128xf32>
    %get3A_98 = vector.shape_cast %get3A_97 : vector<1x128xf32> to vector<128xf32>
    %broadcast_in_dim3A_99 = vector.shape_cast %get3A_98 : vector<128xf32> to vector<1x128xf32>
    %add3A_100 = vector.broadcast %broadcast_in_dim3A_99 : vector<1x128xf32> to vector<512x128xf32>
    %add3A_101 = arith.addf %mul3A_94, %add3A_100 : vector<512x128xf32>
    %max3A_102 = arith.constant 0.000000e+00 : f32
    %max3A_103 = vector.broadcast %max3A_102 : f32 to vector<512x128xf32>
    %max3A_104 = arith.maximumf %add3A_91, %max3A_103 : vector<512x128xf32>
    %get3A_105 = arith.constant 0 : index
    %get3A_106 = arith.constant 0 : index
    %get3A_107 = vector.load %arg5[%get3A_105, %get3A_106] : memref<128x64xf32, #tpu.memory_space<vmem>>, vector<128x64xf32>
    %dot_general3A = arith.constant dense<0.000000e+00> : vector<512x64xf32>
    %dot_general3A_108 = tpu.matmul %max3A_104, %get3A_107, %dot_general3A {dimension_numbers = #tpu.dot_dimension_numbers<[1], [0], [0], [1], [0, 0, 1, 1], [], []>, transpose_lhs_hint = false} : vector<512x128xf32>, vector<128x64xf32>, vector<512x64xf32> -> vector<512x64xf32>
    %get3A_109 = arith.constant 0 : index
    %get3A_110 = arith.constant 0 : index
    %get3A_111 = vector.load %arg6[%get3A_109, %get3A_110] : memref<1x64xf32, #tpu.memory_space<vmem>>, vector<1x64xf32>
    %get3A_112 = vector.shape_cast %get3A_111 : vector<1x64xf32> to vector<64xf32>
    %broadcast_in_dim3A_113 = vector.shape_cast %get3A_112 : vector<64xf32> to vector<1x64xf32>
    %add3A_114 = vector.broadcast %broadcast_in_dim3A_113 : vector<1x64xf32> to vector<512x64xf32>
    %add3A_115 = arith.addf %dot_general3A_108, %add3A_114 : vector<512x64xf32>
    %max3A_116 = arith.constant 0.000000e+00 : f32
    %max3A_117 = vector.broadcast %max3A_116 : f32 to vector<512x128xf32>
    %max3A_118 = arith.maximumf %add3A_101, %max3A_117 : vector<512x128xf32>
    %get3A_119 = arith.constant 0 : index
    %get3A_120 = arith.constant 0 : index
    %get3A_121 = vector.load %arg5[%get3A_119, %get3A_120] : memref<128x64xf32, #tpu.memory_space<vmem>>, vector<128x64xf32>
    %dot_general3A_122 = arith.constant dense<0.000000e+00> : vector<512x64xf32>
    %dot_general3A_123 = tpu.matmul %max3A_118, %get3A_121, %dot_general3A_122 {dimension_numbers = #tpu.dot_dimension_numbers<[1], [0], [0], [1], [0, 0, 1, 1], [], []>, transpose_lhs_hint = false} : vector<512x128xf32>, vector<128x64xf32>, vector<512x64xf32> -> vector<512x64xf32>
    %get3A_124 = arith.constant 0 : index
    %get3A_125 = arith.constant 0 : index
    %get3A_126 = vector.load %arg6[%get3A_124, %get3A_125] : memref<1x64xf32, #tpu.memory_space<vmem>>, vector<1x64xf32>
    %get3A_127 = vector.shape_cast %get3A_126 : vector<1x64xf32> to vector<64xf32>
    %broadcast_in_dim3A_128 = vector.shape_cast %get3A_127 : vector<64xf32> to vector<1x64xf32>
    %add3A_129 = vector.broadcast %broadcast_in_dim3A_128 : vector<1x64xf32> to vector<512x64xf32>
    %add3A_130 = arith.addf %dot_general3A_123, %add3A_129 : vector<512x64xf32>
    %reduce_max3A = arith.constant dense<0xFF800000> : vector<512xf32>
    %reduce_max3A_131 = vector.multi_reduction <maximumf>, %add3A_115, %reduce_max3A [1] : vector<512x64xf32> to vector<512xf32>
    %broadcast_in_dim3A_132 = vector.shape_cast %reduce_max3A_131 : vector<512xf32> to vector<512x1xf32>
    %sub3A = vector.broadcast %broadcast_in_dim3A_132 : vector<512x1xf32> to vector<512x64xf32>
    %sub3A_133 = arith.subf %add3A_115, %sub3A : vector<512x64xf32>
    %exp3A = math.exp %sub3A_133 : vector<512x64xf32>
    %reduce_sum3A = arith.constant dense<0.000000e+00> : vector<512xf32>
    %reduce_sum3A_134 = vector.multi_reduction <add>, %exp3A, %reduce_sum3A [1] : vector<512x64xf32> to vector<512xf32>
    %broadcast_in_dim3A_135 = vector.shape_cast %reduce_sum3A_134 : vector<512xf32> to vector<512x1xf32>
    %log3A = math.log %broadcast_in_dim3A_135 : vector<512x1xf32>
    %add3A_136 = arith.addf %log3A, %broadcast_in_dim3A_132 : vector<512x1xf32>
    %sub3A_137 = vector.broadcast %add3A_136 : vector<512x1xf32> to vector<512x64xf32>
    %sub3A_138 = arith.subf %add3A_115, %sub3A_137 : vector<512x64xf32>
    %reduce_max3A_139 = arith.constant dense<0xFF800000> : vector<512xf32>
    %reduce_max3A_140 = vector.multi_reduction <maximumf>, %add3A_130, %reduce_max3A_139 [1] : vector<512x64xf32> to vector<512xf32>
    %broadcast_in_dim3A_141 = vector.shape_cast %reduce_max3A_140 : vector<512xf32> to vector<512x1xf32>
    %sub3A_142 = vector.broadcast %broadcast_in_dim3A_141 : vector<512x1xf32> to vector<512x64xf32>
    %sub3A_143 = arith.subf %add3A_130, %sub3A_142 : vector<512x64xf32>
    %exp3A_144 = math.exp %sub3A_143 : vector<512x64xf32>
    %reduce_sum3A_145 = arith.constant dense<0.000000e+00> : vector<512xf32>
    %reduce_sum3A_146 = vector.multi_reduction <add>, %exp3A_144, %reduce_sum3A_145 [1] : vector<512x64xf32> to vector<512xf32>
    %broadcast_in_dim3A_147 = vector.shape_cast %reduce_sum3A_146 : vector<512xf32> to vector<512x1xf32>
    %log3A_148 = math.log %broadcast_in_dim3A_147 : vector<512x1xf32>
    %add3A_149 = arith.addf %log3A_148, %broadcast_in_dim3A_141 : vector<512x1xf32>
    %sub3A_150 = vector.broadcast %add3A_149 : vector<512x1xf32> to vector<512x64xf32>
    %sub3A_151 = arith.subf %add3A_130, %sub3A_150 : vector<512x64xf32>
    %concatenate3A_152 = tpu.concatenate %sub3A_138, %sub3A_151 in 1 : vector<512x64xf32>, vector<512x64xf32> -> vector<512x128xf32>
    %swap3A = arith.constant 0 : index
    %swap3A_153 = arith.constant 0 : index
    %swap3A_154 = vector.load %arg7[%swap3A, %swap3A_153] : memref<512x128xf32, #tpu.memory_space<vmem>>, vector<512x128xf32>
    tpu.vector_store %arg7[%swap3A, %swap3A_153], %concatenate3A_152 {strides = array<i32>} : memref<512x128xf32, #tpu.memory_space<vmem>>, vector<512x128xf32>,
    return
  }
  func.func @transform_0(%arg0: i32) -> (i32, i32, i32) {
    %c0_i32 = arith.constant 0 : i32
    %c0_i32_0 = arith.constant 0 : i32
    %c0_i32_1 = arith.constant 0 : i32
    return %c0_i32, %arg0, %c0_i32_0 : i32, i32, i32
  }
  func.func @transform_1(%arg0: i32) -> (i32, i32, i32) {
    %c0_i32 = arith.constant 0 : i32
    %c0_i32_0 = arith.constant 0 : i32
    %c0_i32_1 = arith.constant 0 : i32
    return %c0_i32, %arg0, %c0_i32_0 : i32, i32, i32
  }
  func.func @transform_2(%arg0: i32) -> (i32, i32, i32) {
    %c0_i32 = arith.constant 0 : i32
    %c0_i32_0 = arith.constant 0 : i32
    %c0_i32_1 = arith.constant 0 : i32
    return %c0_i32, %arg0, %c0_i32_0 : i32, i32, i32
  }
  func.func @transform_3(%arg0: i32) -> (i32, i32) {
    %c0_i32 = arith.constant 0 : i32
    %c0_i32_0 = arith.constant 0 : i32
    %c0_i32_1 = arith.constant 0 : i32
    return %c0_i32, %c0_i32_0 : i32, i32
  }
  func.func @transform_4(%arg0: i32) -> (i32, i32) {
    %c0_i32 = arith.constant 0 : i32
    %c0_i32_0 = arith.constant 0 : i32
    %c0_i32_1 = arith.constant 0 : i32
    return %c0_i32, %c0_i32_0 : i32, i32
  }
  func.func @transform_5(%arg0: i32) -> (i32, i32) {
    %c0_i32 = arith.constant 0 : i32
    %c0_i32_0 = arith.constant 0 : i32
    %c0_i32_1 = arith.constant 0 : i32
    return %c0_i32, %c0_i32_0 : i32, i32
  }
  func.func @transform_6(%arg0: i32) -> (i32, i32) {
    %c0_i32 = arith.constant 0 : i32
    %c0_i32_0 = arith.constant 0 : i32
    return %arg0, %c0_i32 : i32, i32
  }
}

</mosaic_0001>

<sc_bundles>
// kernel: kernel.6.cloned.1.call-start
scs
__scs_entry_jumppad:
0x0: {  	(pc) =	sbr.rel $0x88, $3  }
0x1: {  	(tag) =	ssettag $0x0;
	lr =	simm.s32 $0x1  }
0x2: {  	[smem:$0x3F9B] =	sst lr;
	_ =	strace $0xD0000000  }
0x3: {  	_ = 	snop  }
0x4: {  	_ = 	snop  }
0x5: {  	_ = 	snop  }
0x6: {  	_ = 	snop  }
0x7: {  	_ = 	snop  }
__scs_overlays_trampoline_lowered:
0x8: {  	[smem:$0x3FAA] =	sst s0  }
0x9: {  	[smem:$0x3FAB] =	sst s1  }
0xa: {  	[smem:$0x3FAC] =	sst s2  }
0xb: {  	[smem:$0x3FAD] =	sst s3  }
0xc: {  	[smem:$0x3FAE] =	sst s4  }
0xd: {  	[smem:$0x3FAF] =	sst s5  }
0xe: {  	[smem:$0x3FB0] =	sst s6  }
0xf: {  	[smem:$0x3FB1] =	sst s7  }
0x10: {  	[smem:$0x3FB2] =	sst s8  }
0x11: {  	[smem:$0x3FB3] =	sst s9;
	s0 =	simm.s32 @!p0 $0x0  }
0x12: {  	s1 =	sld [smem:$0x3F99];
	s0 =	simm.s32 @p0 $0x1  }
0x13: {  	[smem:$0x3FB4] =	sst s0;
	s0 =	simm.s32 @!p1 $0x0  }
0x14: {  	s2 =	sld [smem:$0x3F98];
	s0 =	simm.s32 @p1 $0x1  }
0x15: {  	[smem:$0x3FB5] =	sst s0;
	s0 =	simm.s32 @!p2 $0x0  }
0x16: {  	s3 =	sld [smem:$0x3FDB];
	s0 =	simm.s32 @p2 $0x1  }
0x17: {  	s4 =	simm.s32 $0x1BF5;
	[smem:$0x3FB7] =	sst s0  }
0x18: {  	s0 =	sld [smem:$0x3F9A];
	_ =	swait.ge [sflag:s4], $0x0  }
0x19: {  	s7 =	sld [smem:$0x3F9B]  }
0x1a: {  	s8 =	sadd.s32 $0xFFFFE003, lr  }
0x1b: {  	s9 =	sadd.s32 $0xFFFFFEF7, lr;
	s5 =	simm.s32 $0xFFFFFFFF;
	p2 =	slt.u32 s8, $0xFFFFF086  }
0x1c: {  	p1 =	slt.u32 s9, $0xF7A;
	s5 =	simm.s32 @!p2 $0x0  }
0x1d: {  	s5 =	simm.s32 @p1 $0x1;
	p0 =	seq.s32 s7, s2  }
0x1e: {  	s7 =	smul.u32 @!p0 $0xF7A, s2;
	p2 =	seq.s32 @!p0 s5, $0x0  }
0x1f: {  	s9 =	smul.u32 $0xF7A, s1;
	s8 =	simm.s32 @!p0 $0x1BF5;
	p2 =	por !p2, p0  }
0x20: {  	[sflag:s8] =	ssyncset.s32 @!p0 $0xFFFFF086;
	s6 =	sadd.s32 @!p0 s3, s7;
	s7 =	simm.s32 @!p0 $0x108  }
0x21: {  	s3 =	sadd.s32 s3, s9;
	s6 =	sadd.s32 @!p0 $0x88, s6;
	s7 =	simm.s32 @p2 $0x1082  }
0x22: {  	[simem:s7], [sflag:s8] =	dma.local @!p0 [hbm:s6], $0xF7A  }
0x23: {  	s9 =	sor.u32 $0xD0000000, s2;
	s6 =	simm.s32 $0x108;
	_ =	swait.ge @!p0 [sflag:s8], $0x0  }
0x24: {  	s3 =	sadd.s32 $0x88, s3;
	s6 =	simm.s32 @!p1 $0x1082;
	[sflag:s4] =	ssyncset.s32 $0xFFFFF086  }
0x25: {  	[simem:s6], [sflag:s4] =	dma.local [hbm:s3], $0xF7A  }
0x26: {  	[smem:$0x3F9B] =	sst s1;
	(tag) =	ssettag s2;
	_ =	strace s9  }
0x27: {  	s1 =	sld [smem:$0x3FAB]  }
0x28: {  	s2 =	sld [smem:$0x3FAC]  }
0x29: {  	s4 =	sld [smem:$0x3FAE]  }
0x2a: {  	p0 =	seq.s32 s5, $0x0;
	s5 =	sld [smem:$0x3FAF]  }
0x2b: {  	s6 =	sld [smem:$0x3FB0]  }
0x2c: {  	s7 =	sld [smem:$0x3FB1]  }
0x2d: {  	s3 =	simm.s32 $0x108;
	s8 =	sld [smem:$0x3FB2]  }
0x2e: {  	s3 =	simm.s32 @!p0 $0x1082;
	s9 =	sld [smem:$0x3FB3]  }
0x2f: {  	lr =	sadd.s32 s0, s3;
	s0 =	sld [smem:$0x3FAA]  }
0x30: {  	s3 =	sld [smem:$0x3FAD]  }
0x31: {  	[smem:$0x3FB6] =	sst s10  }
0x32: {  	s10 =	sld [smem:$0x3FB4];
	_ =	sdelay $0x3  }
0x33: {  	p0 =	seq.s32 s10, $0x1;
	s10 =	sld [smem:$0x3FB6];
	_ =	sdelay $0x3  }
0x34: {  	[smem:$0x3FB6] =	sst s10  }
0x35: {  	s10 =	sld [smem:$0x3FB5];
	_ =	sdelay $0x3  }
0x36: {  	p1 =	seq.s32 s10, $0x1;
	s10 =	sld [smem:$0x3FB6];
	_ =	sdelay $0x3  }
0x37: {  	[smem:$0x3FB6] =	sst s10  }
0x38: {  	s10 =	sld [smem:$0x3FB7]  }
0x39: {  	_ = 	snop;
	(pc) =	sbr.ind lr, $3  }
0x3a: {  	_ = 	snop  }
0x3b: {  	_ = 	snop  }
0x3c: {  	p2 =	seq.s32 s10, $0x1;
	s10 =	sld [smem:$0x3FB6]  }
0x3d: {  	_ =	shalt  }
0x3e: {  	_ =	shalt  }
0x3f: {  	_ =	shalt  }
0x40: {  	_ =	shalt  }
0x41: {  	_ =	shalt  }
0x42: {  	_ =	shalt  }
0x43: {  	_ =	shalt  }
0x44: {  	_ =	shalt  }
0x45: {  	_ =	shalt  }
0x46: {  	_ =	shalt  }
0x47: {  	_ =	shalt  }
0x48: {  	_ =	shalt  }
0x49: {  	_ =	shalt  }
0x4a: {  	_ =	shalt  }
0x4b: {  	_ =	shalt  }
0x4c: {  	_ =	shalt  }
0x4d: {  	_ =	shalt  }
0x4e: {  	_ =	shalt  }
0x4f: {  	_ =	shalt  }
0x50: {  	_ =	shalt  }
0x51: {  	_ =	shalt  }
0x52: {  	_ =	shalt  }
0x53: {  	_ =	shalt  }
0x54: {  	_ =	shalt  }
0x55: {  	_ =	shalt  }
0x56: {  	_ =	shalt  }
0x57: {  	_ =	shalt  }
0x58: {  	_ =	shalt  }
0x59: {  	_ =	shalt  }
0x5a: {  	_ =	shalt  }
0x5b: {  	_ =	shalt  }
0x5c: {  	_ =	shalt  }
0x5d: {  	_ =	shalt  }
0x5e: {  	_ =	shalt  }
0x5f: {  	_ =	shalt  }
0x60: {  	_ =	shalt  }
0x61: {  	_ =	shalt  }
0x62: {  	_ =	shalt  }
0x63: {  	_ =	shalt  }
0x64: {  	_ =	shalt  }
0x65: {  	_ =	shalt  }
0x66: {  	_ =	shalt  }
0x67: {  	_ =	shalt  }
0x68: {  	_ =	shalt  }
0x69: {  	_ =	shalt  }
0x6a: {  	_ =	shalt  }
0x6b: {  	_ =	shalt  }
0x6c: {  	_ =	shalt  }
0x6d: {  	_ =	shalt  }
0x6e: {  	_ =	shalt  }
0x6f: {  	_ =	shalt  }
0x70: {  	_ =	shalt  }
0x71: {  	_ =	shalt  }
0x72: {  	_ =	shalt  }
0x73: {  	_ =	shalt  }
0x74: {  	_ =	shalt  }
0x75: {  	_ =	shalt  }
0x76: {  	_ =	shalt  }
0x77: {  	_ =	shalt  }
0x78: {  	_ =	shalt  }
0x79: {  	_ =	shalt  }
0x7a: {  	_ =	shalt  }
0x7b: {  	_ =	shalt  }
0x7c: {  	_ =	shalt  }
0x7d: {  	_ =	shalt  }
0x7e: {  	_ =	shalt  }
0x7f: {  	_ =	shalt  }
0x80: {  	_ =	shalt  }
0x81: {  	_ =	shalt  }
0x82: {  	_ =	shalt  }
0x83: {  	_ =	shalt  }
0x84: {  	_ =	shalt  }
0x85: {  	_ =	shalt  }
0x86: {  	_ =	shalt  }
0x87: {  	_ =	shalt  }
.Lfunc_end0:
.L_simem_size_0:
called_computation_lowered:
.L_overlay_start_0:
0x88: {  	s2 =	sld [smem:$0x3FD9]  }
0x89: {  	s3 =	sld [smem:$0x3FFE];
	_ =	sdelay $0x1  }
0x8a: {  	s1 =	srdreg.scid  }
0x8b: {  	s0 =	sand.u32 $0x1, s1  }
0x8c: {  	s16 =	sshll.u32 s0, $0xA;
	s2 =	sadd.s32 s3, s2  }
0x8d: {  	s2 =	sadd.s32 s2, s16  }
0x8e: {  	[smem:$0x3FC2] =	sst s2  }
0x8f: {  	_ = 	snop  }
0x90: {  	(tm) =	ssettm $0x1  }
0x91: {  	s17 =	sld [smem:$0x3FFB];
	_ =	sdelay $0x3  }
0x92: {  	_ =	strace s17  }
0x93: {  	s2 =	sld [smem:$0x3FFC];
	_ =	sdelay $0x3  }
0x94: {  	_ =	strace s2  }
0x95: {  	s2 =	sld [smem:$0x3FFD];
	_ =	sdelay $0x3  }
0x96: {  	_ =	strace s2  }
0x97: {  	_ =	strace $0x8FFFFFFF  }
0x98: {  	s18 =	sld [smem:$0x3FDB];
	_ =	sdelay $0x1  }
0x99: {  	s19 =	simm.s32 $_scs_section_size  }
0x9a: {  	s4 =	simm.s32 $_size__tile_overlayer_lowered;
	s5 =	simm.s32 $_tile_overlayer_lowered  }
0x9b: {  	s22 =	simm.s32 $0x1BFF;
	s21 =	sshll.u32 s5, $0x1;
	s2 =	sadd.s32 s19, s18  }
0x9c: {  	s6 =	simm.s32 $0x0;
	s20 =	sshll.u32 s4, $0x1;
	s4 =	sadd.s32 s21, s2  }
0x9d: {  	[timem:s6], [sflag:s22] =	dma.local [hbm:s4], s20  }
0x9e: {  	_ =	swait.ge [sflag:s22], s20  }
0x9f: {  	s3 =	ssub.s32 $0x0, s20;
	[sflag:s22] =	ssyncset.done $0x0  }
0xa0: {  	[sflag:s22] =	ssyncadd.s32 s3;
	_ =	sdelay $0x1  }
0xa1: {  	s23 =	simm.s32 $0x1B8B  }
0xa2: {  	_ =	swait.ge [sflag:s23], $0x1  }
0xa3: {  	[sflag:s23] =	ssyncset.done $0x0  }
0xa4: {  	s25 =	simm.s32 $0x1B8E;
	s24 =	sld [smem:$0x3FFE];
	[sflag:s23] =	ssyncadd.s32 $0xFFFFFFFF  }
0xa5: {  	s26 =	simm.s32 $execute0_lowered;
	[smem:$0x3FD2] =	sst s25  }
0xa6: {  	s4 =	sshll.u32 s26, $0x1;
	_ =	strace $0x80000046;
	[dreg:$0x1] =	wrdreg $0xFFFFFFFF  }
0xa7: {  	s28 =	simm.s32 $_size_execute0_lowered;
	s2 =	sadd.s32 s2, s4;
	[dreg:$0x0] =	wrdreg $0x0  }
0xa8: {  	s4 =	sshll.u32 s28, $0x1;
	[dreg:$0x2] =	wrdreg s2  }
0xa9: {  	[dreg:$0x3] =	wrdreg s4  }
0xaa: {  	[dreg:$0x4] =	wrdreg $0xC0  }
0xab: {  	_ =	task [dreg:s6], $0x5FFFF  }
0xac: {  	[dreg:$0x1] =	wrdreg $0xFFFFFFFF  }
0xad: {  	[dreg:$0x0] =	wrdreg $0x60  }
0xae: {  	[dreg:$0x2] =	wrdreg s24  }
0xaf: {  	[dreg:$0x3] =	wrdreg $0x28800  }
0xb0: {  	[dreg:$0x4] =	wrdreg $0x9  }
0xb1: {  	_ =	task.clear_ibuf [dreg:s6], $0x5FFFF;
	_ =	strace $0x90000046  }
0xb2: {  	s29 =	simm.s32 $0x9;
	_ =	strace $0x80000048  }
0xb3: {  	_ =	swait.ge [sflag:s29], $0x1  }
0xb4: {  	[sflag:s29] =	ssyncadd.s32 $0xFFFFFFFF  }
0xb5: {  	_ =	strace $0x90000048  }
0xb6: {  	_ =	sfence  }
0xb7: {  	s30 =	sld [smem:$0x0];
	_ =	sdelay $0x2  }
0xb8: {  	s31 =	sshll.u32 s1, $0xD;
	s1 =	sshrl.u32 s1, $0x2  }
0xb9: {  	s3 =	sand.u32 $0x4000, s31;
	s1 =	sadd.s32 s1, s30  }
0xba: {  	s0 =	sor.u32 s3, s0;
	s1 =	sshll.u32 s1, $0x11  }
0xbb: {  	s0 =	sor.u32 s1, s0  }
0xbc: {  	s0 =	sadd.s32 $0x8F2B, s0  }
0xbd: {  	[sflag:s0] =	ssyncadd.remote.s32 $0x1  }
0xbe: {  	_ =	sfence.sel $0xFFFF  }
0xbf: {  	[dreg:$0x0] =	wrdreg $0xFFFFFFFF;
	(pc) =	sbr.abs _section_cstart, $3  }
0xc0: {  	[dreg:$0x1] =	wrdreg $0xFFFFFFFF  }
0xc1: {  	_ =	task.clear_ibuf [dreg:s6], $0x2FFFF;
	_ =	strace $0x9FFFFFFF  }
0xc2: {  	(tm) =	ssettm $0x7FFFFFFF  }
0xc3: {  	_ =	shalt  }
tec
execute0_lowered:
.L_overlay_start_1:
0x0: {  	(tag) =	ssettag $0x1  }
0x1: {  	s4 =	rddreg [dreg:$0x0];
	s0 =	srdreg.scid  }
0x2: {  	s6 =	stileid.u32;
	s1 =	rddreg [dreg:$0x1]  }
0x3: {  	s2 =	simm.s32 $0x0;
	s10 =	simm.s32 $0x2800;
	s11 =	simm.s32 $0x100  }
0x4: {  	s12 =	simm.s32 $0x180;
	s13 =	simm.s32 $0x1;
	s14 =	simm.s32 $0x2  }
0x5: {  	s15 =	simm.s32 $0x3;
	s16 =	simm.s32 $0x4;
	s17 =	simm.s32 $0x0  }
0x6: {  	s3 =	sand.u32 $0x1, s0;
	s5 =	sshll.u32 s6, $0x1;
	s0 =	rddreg [dreg:$0x2]  }
0x7: {  	[smem:$0x7FF] =	sst s2;
	p0 =	sne.s32 s6, $0x0;
	s5 =	sor.u32 s3, s5  }
0x8: {  	_ =	strace $0x80000047;
	s7 =	ssub.s32 $0x2, s3;
	s8 =	sshll.u32 s3, $0x4  }
0x9: {  	s3 =	sadd.s32 $0xB600, s4;
	s5 =	smul.u32 $0x500, s5;
	s9 =	sshrl.u32 s7, $0x1  }
0xa: {  	s8 =	sadd.s32 s8, s4;
	s7 =	ssub.s32 s7, s9;
	s9 =	simm.s32 $0x80  }
0xb: {  	s5 =	sadd.s32 s5, s4;
	s6 =	smax.u32 s7, $0x1;
	s7 =	sshrl.u32 @!p0 s1, $0x3  }
0xc: {  	v0 =	vimm.f32 $1.000000000e+00;
	s4 =	sadd.s32 $0x1600, s5;
	s5 =	sadd.s32 $0xBC00, s8;
	s8 =	simm.s32 $0x5  }
.LBB2_1:
0xd: {  	[tilespmem:$0x2800] =	vst v0  }
0xe: {  	[tilespmem:$0x2810] =	vst v0  }
0xf: {  	[tilespmem:$0x2820] =	vst v0  }
0x10: {  	[tilespmem:$0x2830] =	vst v0  }
0x11: {  	[tilespmem:$0x2840] =	vst v0  }
0x12: {  	[tilespmem:$0x2850] =	vst v0  }
0x13: {  	[tilespmem:$0x2860] =	vst v0  }
0x14: {  	[tilespmem:$0x2870] =	vst v0;
	s18 =	simm.s32 @!p0 $0x1C05  }
0x15: {  	[spmem:s7], [sflag:s18] =	dma.local @!p0 [hbm:s3], $0x500  }
0x16: {  	s18 =	simm.s32 @!p0 $0x5  }
0x17: {  	_ =	swait.ge @!p0 [sflag:s18], $0x500  }
0x18: {  	[sflag:s18] =	ssyncset.done @!p0 $0x0  }
0x19: {  	[sflag:s18] =	ssyncadd.s32 @!p0 $0xFFFFFB00  }
0x1a: {  	[bflag:$0x0] =	sbarrier.arrive $0xFFFF  }
0x1b: {  	[tilespmem:s2], [sflag:$0x5] =	stream.linear.gather [hbm4b:s4+s2], $0x2800, $0x38;
	[tilespmem:$0x2B00] =	vst v63  }
0x1c: {  	_ =	swait.ge [sflag:s8], $0x2800  }
0x1d: {  	[sflag:s8] =	ssyncset.done $0x0  }
0x1e: {  	[sflag:s8] =	ssyncadd.s32 $0xFFFFD800  }
0x1f: {  	[spmem:s1] =	stream.indirect.scatter.add.f32 [tilespmem:s10], [sflag:$0x1], $0x1, s2, s9, $0xb8;
	[tilespmem:$0x2B00] =	vst v63  }
0x20: {  	_ = 	snop  }
0x21: {  	[spmem:s1] =	stream.indirect.scatter.add.f32 [tilespmem:s10], [sflag:$0x2], $0x1, s9, s9, $0xb8;
	[tilespmem:$0x2B00] =	vst v63  }
0x22: {  	_ = 	snop  }
0x23: {  	[spmem:s1] =	stream.indirect.scatter.add.f32 [tilespmem:s10], [sflag:$0x3], $0x1, s11, s9, $0xb8;
	[tilespmem:$0x2B00] =	vst v63  }
0x24: {  	_ = 	snop  }
0x25: {  	[spmem:s1] =	stream.indirect.scatter.add.f32 [tilespmem:s10], [sflag:$0x4], $0x1, s12, s9, $0xb8;
	[tilespmem:$0x2B00] =	vst v63  }
0x26: {  	_ =	swait.ge [sflag:s13], $0x80  }
0x27: {  	[sflag:s13] =	ssyncset.done $0x0  }
0x28: {  	s29 =	simm.s32 $0x200;
	[sflag:s13] =	ssyncadd.s32 $0xFFFFFF80  }
0x29: {  	[spmem:s1] =	stream.indirect.scatter.add.f32 [tilespmem:s10], [sflag:$0x1], $0x1, s29, s9, $0xb8;
	[tilespmem:$0x2B00] =	vst v63  }
0x2a: {  	_ =	swait.ge [sflag:s14], $0x80  }
0x2b: {  	[sflag:s14] =	ssyncset.done $0x0  }
0x2c: {  	s30 =	simm.s32 $0x280;
	[sflag:s14] =	ssyncadd.s32 $0xFFFFFF80  }
0x2d: {  	[spmem:s1] =	stream.indirect.scatter.add.f32 [tilespmem:s10], [sflag:$0x2], $0x1, s30, s9, $0xb8;
	[tilespmem:$0x2B00] =	vst v63  }
0x2e: {  	_ =	swait.ge [sflag:s15], $0x80  }
0x2f: {  	[sflag:s15] =	ssyncset.done $0x0  }
0x30: {  	s31 =	simm.s32 $0x300;
	[sflag:s15] =	ssyncadd.s32 $0xFFFFFF80  }
0x31: {  	[spmem:s1] =	stream.indirect.scatter.add.f32 [tilespmem:s10], [sflag:$0x3], $0x1, s31, s9, $0xb8;
	[tilespmem:$0x2B00] =	vst v63  }
0x32: {  	_ =	swait.ge [sflag:s16], $0x80  }
0x33: {  	[sflag:s16] =	ssyncset.done $0x0  }
0x34: {  	s19 =	simm.s32 $0x380;
	s18 =	simm.s32 $0xFFFF7000;
	[sflag:s16] =	ssyncadd.s32 $0xFFFFFF80  }
.LBB2_2:
0x35: {  	[spmem:s1] =	stream.indirect.scatter.add.f32 [tilespmem:s10], [sflag:$0x4], $0x1, s19, s9, $0xb8;
	[tilespmem:$0x2B00] =	vst v63  }
0x36: {  	s19 =	smov.u32 s18  }
0x37: {  	p1 =	sne.s32 s18, $0xFFFFF800;
	s18 =	sadd.s32 $0x800, s18;
	_ =	swait.ge [sflag:s13], $0x80  }
0x38: {  	s19 =	sshra.s32 s19, $0x2;
	[sflag:s13] =	ssyncset.done $0x0  }
0x39: {  	s20 =	sadd.s32 $0x2800, s19;
	[sflag:s13] =	ssyncadd.s32 $0xFFFFFF80  }
0x3a: {  	[spmem:s1] =	stream.indirect.scatter.add.f32 [tilespmem:s10], [sflag:$0x1], $0x1, s20, s9, $0xb8;
	[tilespmem:$0x2B00] =	vst v63  }
0x3b: {  	_ =	swait.ge [sflag:s14], $0x80  }
0x3c: {  	[sflag:s14] =	ssyncset.done $0x0  }
0x3d: {  	s20 =	sadd.s32 $0x2880, s19;
	[sflag:s14] =	ssyncadd.s32 $0xFFFFFF80  }
0x3e: {  	[spmem:s1] =	stream.indirect.scatter.add.f32 [tilespmem:s10], [sflag:$0x2], $0x1, s20, s9, $0xb8;
	[tilespmem:$0x2B00] =	vst v63  }
0x3f: {  	_ =	swait.ge [sflag:s15], $0x80  }
0x40: {  	[sflag:s15] =	ssyncset.done $0x0  }
.Ltmp0:
0x41: {  	s20 =	sadd.s32 $0x2900, s19;
	[sflag:s15] =	ssyncadd.s32 $0xFFFFFF80;
	(pc) =	sbr.rel @p1 .LBB2_2-.Ltmp0, $4  }
0x42: {  	[spmem:s1] =	stream.indirect.scatter.add.f32 [tilespmem:s10], [sflag:$0x3], $0x1, s20, s9, $0xb8;
	[tilespmem:$0x2B00] =	vst v63  }
0x43: {  	_ =	swait.ge [sflag:s16], $0x80  }
0x44: {  	[sflag:s16] =	ssyncset.done $0x0  }
0x45: {  	s19 =	sadd.s32 $0x2980, s19;
	[sflag:s16] =	ssyncadd.s32 $0xFFFFFF80  }
0x46: {  	[spmem:s1] =	stream.indirect.scatter.add.f32 [tilespmem:s10], [sflag:$0x4], $0x1, s19, s9, $0xb8;
	[tilespmem:$0x2B00] =	vst v63  }
0x47: {  	_ =	swait.ge [sflag:s13], $0x80  }
0x48: {  	[sflag:s13] =	ssyncset.done $0x0  }
0x49: {  	[sflag:s13] =	ssyncadd.s32 $0xFFFFFF80  }
0x4a: {  	_ =	swait.ge [sflag:s14], $0x80  }
0x4b: {  	[sflag:s14] =	ssyncset.done $0x0  }
0x4c: {  	[sflag:s14] =	ssyncadd.s32 $0xFFFFFF80  }
0x4d: {  	_ =	swait.ge [sflag:s15], $0x80  }
0x4e: {  	[sflag:s15] =	ssyncset.done $0x0  }
0x4f: {  	[sflag:s15] =	ssyncadd.s32 $0xFFFFFF80  }
0x50: {  	_ =	swait.ge [sflag:s16], $0x80  }
0x51: {  	s18 =	simm.s32 @!p0 $0x1;
	s19 =	simm.s32 @!p0 $0x20;
	[sflag:s16] =	ssyncset.done $0x0  }
0x52: {  	s20 =	simm.s32 @!p0 $0x10;
	s17 =	sadd.s32 $0x1, s17;
	[sflag:s16] =	ssyncadd.s32 $0xFFFFFF80  }
0x53: {  	s21 =	simm.s32 @!p0 $0x1C05;
	p1 =	sne.s32 s17, s6;
	[bflag:$0x0] =	sbarrier.arrive $0xFFFF  }
0x54: {  	[hbm:s5@s19], [sflag:s21] =	dma.strided @!p0 [spmem:s7@s20], $0x500, s18, $0x10   }
.Ltmp1:
0x55: {  	_ = 	snop;
	(pc) =	sbr.rel @p1 .LBB2_1-.Ltmp1, $4  }
0x56: {  	s18 =	simm.s32 @!p0 $0x5  }
0x57: {  	_ =	swait.ge @!p0 [sflag:s18], $0x500  }
0x58: {  	[sflag:s18] =	ssyncset.done @!p0 $0x0  }
0x59: {  	[sflag:s18] =	ssyncadd.s32 @!p0 $0xFFFFFB00  }
0x5a: {  	_ =	sfence.sel $0x180000  }
0x5b: {  	[bflag:$0x0] =	sbarrier.arrive $0xFFFF  }
0x5c: {  	_ =	strace $0x90000047  }
0x5d: {  	s0 =	sadd.s32 @!p0 $0x100000, s0;
	[bflag:$0x2] =	sbarrier.arrive $0xFFFF  }
0x5e: {  	[sflag:s0] =	ssyncadd.tile.s32 @!p0 $0x1;
	_ =	shalt  }
.Lfunc_end2:
_tile_overlayer_lowered:
.L_overlay_start_2:
0x5f: {  	(tag) =	ssettag $0x2  }
0x60: {  	s0 =	rddreg [dreg:$0x0];
	s2 =	stileid.u32  }
0x61: {  	s1 =	rddreg [dreg:$0x1];
	p0 =	sne.s32 s2, $0x0  }
0x62: {  	s3 =	rddreg [dreg:$0x2];
	[bflag:$0x3] =	sbarrier.arrive $0xFFFF;
	s2 =	simm.s32 @!p0 $0x1C05  }
0x63: {  	[timem:s3], [sflag:s2] =	dma.local @!p0 [hbm:s0], s1  }
0x64: {  	s0 =	simm.s32 @!p0 $0x5  }
0x65: {  	_ =	swait.ge @!p0 [sflag:s0], s1  }
0x66: {  	s1 =	ssub.s32 @!p0 $0x0, s1;
	[sflag:s0] =	ssyncset.done @!p0 $0x0  }
0x67: {  	[sflag:s0] =	ssyncadd.s32 @!p0 s1  }
0x68: {  	[bflag:$0x3] =	sbarrier.arrive $0xFFFF  }
0x69: {  	_ =	shalt  }

// kernel: kernel.9.cloned.1.call-start
scs
__scs_entry_jumppad:
0x0: {  	(pc) =	sbr.rel $0x88, $3  }
0x1: {  	(tag) =	ssettag $0x0;
	lr =	simm.s32 $0x1  }
0x2: {  	[smem:$0x3F9B] =	sst lr;
	_ =	strace $0xD0000000  }
0x3: {  	_ = 	snop  }
0x4: {  	_ = 	snop  }
0x5: {  	_ = 	snop  }
0x6: {  	_ = 	snop  }
0x7: {  	_ = 	snop  }
__scs_overlays_trampoline_lowered:
0x8: {  	[smem:$0x3FAA] =	sst s0  }
0x9: {  	[smem:$0x3FAB] =	sst s1  }
0xa: {  	[smem:$0x3FAC] =	sst s2  }
0xb: {  	[smem:$0x3FAD] =	sst s3  }
0xc: {  	[smem:$0x3FAE] =	sst s4  }
0xd: {  	[smem:$0x3FAF] =	sst s5  }
0xe: {  	[smem:$0x3FB0] =	sst s6  }
0xf: {  	[smem:$0x3FB1] =	sst s7  }
0x10: {  	[smem:$0x3FB2] =	sst s8  }
0x11: {  	[smem:$0x3FB3] =	sst s9;
	s0 =	simm.s32 @!p0 $0x0  }
0x12: {  	s1 =	sld [smem:$0x3F99];
	s0 =	simm.s32 @p0 $0x1  }
0x13: {  	[smem:$0x3FB4] =	sst s0;
	s0 =	simm.s32 @!p1 $0x0  }
0x14: {  	s2 =	sld [smem:$0x3F98];
	s0 =	simm.s32 @p1 $0x1  }
0x15: {  	[smem:$0x3FB5] =	sst s0;
	s0 =	simm.s32 @!p2 $0x0  }
0x16: {  	s3 =	sld [smem:$0x3FDB];
	s0 =	simm.s32 @p2 $0x1  }
0x17: {  	s4 =	simm.s32 $0x1BF5;
	[smem:$0x3FB7] =	sst s0  }
0x18: {  	s0 =	sld [smem:$0x3F9A];
	_ =	swait.ge [sflag:s4], $0x0  }
0x19: {  	s7 =	sld [smem:$0x3F9B]  }
0x1a: {  	s8 =	sadd.s32 $0xFFFFE003, lr  }
0x1b: {  	s9 =	sadd.s32 $0xFFFFFEF7, lr;
	s5 =	simm.s32 $0xFFFFFFFF;
	p2 =	slt.u32 s8, $0xFFFFF086  }
0x1c: {  	p1 =	slt.u32 s9, $0xF7A;
	s5 =	simm.s32 @!p2 $0x0  }
0x1d: {  	s5 =	simm.s32 @p1 $0x1;
	p0 =	seq.s32 s7, s2  }
0x1e: {  	s7 =	smul.u32 @!p0 $0xF7A, s2;
	p2 =	seq.s32 @!p0 s5, $0x0  }
0x1f: {  	s9 =	smul.u32 $0xF7A, s1;
	s8 =	simm.s32 @!p0 $0x1BF5;
	p2 =	por !p2, p0  }
0x20: {  	[sflag:s8] =	ssyncset.s32 @!p0 $0xFFFFF086;
	s6 =	sadd.s32 @!p0 s3, s7;
	s7 =	simm.s32 @!p0 $0x108  }
0x21: {  	s3 =	sadd.s32 s3, s9;
	s6 =	sadd.s32 @!p0 $0x88, s6;
	s7 =	simm.s32 @p2 $0x1082  }
0x22: {  	[simem:s7], [sflag:s8] =	dma.local @!p0 [hbm:s6], $0xF7A  }
0x23: {  	s9 =	sor.u32 $0xD0000000, s2;
	s6 =	simm.s32 $0x108;
	_ =	swait.ge @!p0 [sflag:s8], $0x0  }
0x24: {  	s3 =	sadd.s32 $0x88, s3;
	s6 =	simm.s32 @!p1 $0x1082;
	[sflag:s4] =	ssyncset.s32 $0xFFFFF086  }
0x25: {  	[simem:s6], [sflag:s4] =	dma.local [hbm:s3], $0xF7A  }
0x26: {  	[smem:$0x3F9B] =	sst s1;
	(tag) =	ssettag s2;
	_ =	strace s9  }
0x27: {  	s1 =	sld [smem:$0x3FAB]  }
0x28: {  	s2 =	sld [smem:$0x3FAC]  }
0x29: {  	s4 =	sld [smem:$0x3FAE]  }
0x2a: {  	p0 =	seq.s32 s5, $0x0;
	s5 =	sld [smem:$0x3FAF]  }
0x2b: {  	s6 =	sld [smem:$0x3FB0]  }
0x2c: {  	s7 =	sld [smem:$0x3FB1]  }
0x2d: {  	s3 =	simm.s32 $0x108;
	s8 =	sld [smem:$0x3FB2]  }
0x2e: {  	s3 =	simm.s32 @!p0 $0x1082;
	s9 =	sld [smem:$0x3FB3]  }
0x2f: {  	lr =	sadd.s32 s0, s3;
	s0 =	sld [smem:$0x3FAA]  }
0x30: {  	s3 =	sld [smem:$0x3FAD]  }
0x31: {  	[smem:$0x3FB6] =	sst s10  }
0x32: {  	s10 =	sld [smem:$0x3FB4];
	_ =	sdelay $0x3  }
0x33: {  	p0 =	seq.s32 s10, $0x1;
	s10 =	sld [smem:$0x3FB6];
	_ =	sdelay $0x3  }
0x34: {  	[smem:$0x3FB6] =	sst s10  }
0x35: {  	s10 =	sld [smem:$0x3FB5];
	_ =	sdelay $0x3  }
0x36: {  	p1 =	seq.s32 s10, $0x1;
	s10 =	sld [smem:$0x3FB6];
	_ =	sdelay $0x3  }
0x37: {  	[smem:$0x3FB6] =	sst s10  }
0x38: {  	s10 =	sld [smem:$0x3FB7]  }
0x39: {  	_ = 	snop;
	(pc) =	sbr.ind lr, $3  }
0x3a: {  	_ = 	snop  }
0x3b: {  	_ = 	snop  }
0x3c: {  	p2 =	seq.s32 s10, $0x1;
	s10 =	sld [smem:$0x3FB6]  }
0x3d: {  	_ =	shalt  }
0x3e: {  	_ =	shalt  }
0x3f: {  	_ =	shalt  }
0x40: {  	_ =	shalt  }
0x41: {  	_ =	shalt  }
0x42: {  	_ =	shalt  }
0x43: {  	_ =	shalt  }
0x44: {  	_ =	shalt  }
0x45: {  	_ =	shalt  }
0x46: {  	_ =	shalt  }
0x47: {  	_ =	shalt  }
0x48: {  	_ =	shalt  }
0x49: {  	_ =	shalt  }
0x4a: {  	_ =	shalt  }
0x4b: {  	_ =	shalt  }
0x4c: {  	_ =	shalt  }
0x4d: {  	_ =	shalt  }
0x4e: {  	_ =	shalt  }
0x4f: {  	_ =	shalt  }
0x50: {  	_ =	shalt  }
0x51: {  	_ =	shalt  }
0x52: {  	_ =	shalt  }
0x53: {  	_ =	shalt  }
0x54: {  	_ =	shalt  }
0x55: {  	_ =	shalt  }
0x56: {  	_ =	shalt  }
0x57: {  	_ =	shalt  }
0x58: {  	_ =	shalt  }
0x59: {  	_ =	shalt  }
0x5a: {  	_ =	shalt  }
0x5b: {  	_ =	shalt  }
0x5c: {  	_ =	shalt  }
0x5d: {  	_ =	shalt  }
0x5e: {  	_ =	shalt  }
0x5f: {  	_ =	shalt  }
0x60: {  	_ =	shalt  }
0x61: {  	_ =	shalt  }
0x62: {  	_ =	shalt  }
0x63: {  	_ =	shalt  }
0x64: {  	_ =	shalt  }
0x65: {  	_ =	shalt  }
0x66: {  	_ =	shalt  }
0x67: {  	_ =	shalt  }
0x68: {  	_ =	shalt  }
0x69: {  	_ =	shalt  }
0x6a: {  	_ =	shalt  }
0x6b: {  	_ =	shalt  }
0x6c: {  	_ =	shalt  }
0x6d: {  	_ =	shalt  }
0x6e: {  	_ =	shalt  }
0x6f: {  	_ =	shalt  }
0x70: {  	_ =	shalt  }
0x71: {  	_ =	shalt  }
0x72: {  	_ =	shalt  }
0x73: {  	_ =	shalt  }
0x74: {  	_ =	shalt  }
0x75: {  	_ =	shalt  }
0x76: {  	_ =	shalt  }
0x77: {  	_ =	shalt  }
0x78: {  	_ =	shalt  }
0x79: {  	_ =	shalt  }
0x7a: {  	_ =	shalt  }
0x7b: {  	_ =	shalt  }
0x7c: {  	_ =	shalt  }
0x7d: {  	_ =	shalt  }
0x7e: {  	_ =	shalt  }
0x7f: {  	_ =	shalt  }
0x80: {  	_ =	shalt  }
0x81: {  	_ =	shalt  }
0x82: {  	_ =	shalt  }
0x83: {  	_ =	shalt  }
0x84: {  	_ =	shalt  }
0x85: {  	_ =	shalt  }
0x86: {  	_ =	shalt  }
0x87: {  	_ =	shalt  }
.Lfunc_end0:
.L_simem_size_0:
called_computation.1_lowered:
.L_overlay_start_0:
0x88: {  	s2 =	sld [smem:$0x3FD9]  }
0x89: {  	s3 =	sld [smem:$0x3FFE];
	_ =	sdelay $0x1  }
0x8a: {  	s1 =	srdreg.scid  }
0x8b: {  	s0 =	sand.u32 $0x1, s1  }
0x8c: {  	s17 =	sshll.u32 s0, $0xA;
	s2 =	sadd.s32 s3, s2  }
0x8d: {  	s2 =	sadd.s32 s2, s17  }
0x8e: {  	[smem:$0x3FC2] =	sst s2  }
0x8f: {  	_ = 	snop  }
0x90: {  	s2 =	sld [smem:$0x3FD0];
	(tm) =	ssettm $0x1  }
0x91: {  	s18 =	sld [smem:$0x3FFB];
	_ =	sdelay $0x3  }
0x92: {  	_ =	strace s18  }
0x93: {  	s3 =	sld [smem:$0x3FFC];
	_ =	sdelay $0x3  }
0x94: {  	_ =	strace s3  }
0x95: {  	s3 =	sld [smem:$0x3FFD];
	_ =	sdelay $0x3  }
0x96: {  	_ =	strace s3  }
0x97: {  	_ =	strace $0x8FFFFFFF  }
0x98: {  	s19 =	sld [smem:$0x3FDB];
	_ =	sdelay $0x1  }
0x99: {  	s4 =	simm.s32 $_scs_section_size  }
0x9a: {  	s5 =	simm.s32 $_size__tile_overlayer_lowered;
	s6 =	simm.s32 $_tile_overlayer_lowered  }
0x9b: {  	s22 =	simm.s32 $0x1BFF;
	s21 =	sshll.u32 s6, $0x1;
	s3 =	sadd.s32 s4, s19  }
0x9c: {  	s7 =	simm.s32 $0x0;
	s20 =	sshll.u32 s5, $0x1;
	s5 =	sadd.s32 s21, s3  }
0x9d: {  	[timem:s7], [sflag:s22] =	dma.local [hbm:s5], s20  }
0x9e: {  	_ =	swait.ge [sflag:s22], s20  }
0x9f: {  	s4 =	ssub.s32 $0x0, s20;
	[sflag:s22] =	ssyncset.done $0x0  }
0xa0: {  	[sflag:s22] =	ssyncadd.s32 s4;
	_ =	sdelay $0x1  }
0xa1: {  	s23 =	simm.s32 $0x1B8B  }
0xa2: {  	_ =	swait.ge [sflag:s23], $0x1  }
0xa3: {  	[sflag:s23] =	ssyncset.done $0x0  }
0xa4: {  	s25 =	simm.s32 $0x1B8E;
	s24 =	sld [smem:$0x3FFE];
	[sflag:s23] =	ssyncadd.s32 $0xFFFFFFFF  }
0xa5: {  	s26 =	simm.s32 $execute0_lowered;
	[smem:$0x3FD2] =	sst s25  }
0xa6: {  	s5 =	sshll.u32 s26, $0x1;
	_ =	strace $0x80000049;
	[dreg:$0x1] =	wrdreg $0xFFFFFFFF  }
0xa7: {  	s28 =	simm.s32 $_size_execute0_lowered;
	s3 =	sadd.s32 s3, s5;
	[dreg:$0x0] =	wrdreg $0x0  }
0xa8: {  	s5 =	sshll.u32 s28, $0x1;
	[dreg:$0x2] =	wrdreg s3  }
0xa9: {  	[dreg:$0x3] =	wrdreg s5  }
0xaa: {  	[dreg:$0x4] =	wrdreg $0xC0  }
0xab: {  	_ =	task [dreg:s7], $0x5FFFF  }
0xac: {  	[dreg:$0x1] =	wrdreg $0xFFFFFFFF  }
0xad: {  	[dreg:$0x0] =	wrdreg $0x60  }
0xae: {  	[dreg:$0x2] =	wrdreg s2  }
0xaf: {  	[dreg:$0x3] =	wrdreg s24  }
0xb0: {  	[dreg:$0x4] =	wrdreg $0x154000  }
0xb1: {  	[dreg:$0x5] =	wrdreg $0x9  }
0xb2: {  	_ =	task.clear_ibuf [dreg:s7], $0x6FFFF;
	_ =	strace $0x90000049  }
0xb3: {  	s29 =	simm.s32 $0x9;
	_ =	strace $0x8000004B  }
0xb4: {  	_ =	swait.ge [sflag:s29], $0x1  }
0xb5: {  	[sflag:s29] =	ssyncadd.s32 $0xFFFFFFFF  }
0xb6: {  	_ =	strace $0x9000004B  }
0xb7: {  	_ =	sfence  }
0xb8: {  	s30 =	sld [smem:$0x0];
	_ =	sdelay $0x2  }
0xb9: {  	s31 =	sshll.u32 s1, $0xD;
	s1 =	sshrl.u32 s1, $0x2  }
0xba: {  	s3 =	sand.u32 $0x4000, s31;
	s1 =	sadd.s32 s1, s30  }
0xbb: {  	s0 =	sor.u32 s3, s0;
	s1 =	sshll.u32 s1, $0x11  }
0xbc: {  	s0 =	sor.u32 s1, s0  }
0xbd: {  	s0 =	sadd.s32 $0x8F2B, s0  }
0xbe: {  	[sflag:s0] =	ssyncadd.remote.s32 $0x1  }
0xbf: {  	_ =	sfence.sel $0xFFFF  }
0xc0: {  	[dreg:$0x0] =	wrdreg $0xFFFFFFFF;
	(pc) =	sbr.abs _section_cstart, $3  }
0xc1: {  	[dreg:$0x1] =	wrdreg $0xFFFFFFFF  }
0xc2: {  	_ =	task.clear_ibuf [dreg:s7], $0x2FFFF;
	_ =	strace $0x9FFFFFFF  }
0xc3: {  	(tm) =	ssettm $0x7FFFFFFF  }
tec
execute0_lowered:
.L_overlay_start_1:
0x0: {  	(tag) =	ssettag $0x1  }
0x1: {  	s0 =	rddreg [dreg:$0x0]  }
0x2: {  	s3 =	rddreg [dreg:$0x1]  }
0x3: {  	s1 =	rddreg [dreg:$0x2];
	s2 =	simm.s32 $0x0  }
0x4: {  	s4 =	stileid.u32;
	s5 =	srdreg.scid;
	s29 =	simm.s32 $0x11400  }
0x5: {  	s31 =	simm.s32 $0x5380;
	s28 =	simm.s32 $0x1;
	s10 =	simm.s32 $0x10  }
0x6: {  	s11 =	simm.s32 $0x8;
	s14 =	simm.s32 $0x0;
	[smem:$0x7FF] =	sst s2  }
0x7: {  	s6 =	smul.u32 $0xA00, s4;
	s5 =	sand.u32 $0x1, s5;
	s9 =	sadd.s32 $0x33600, s3  }
0x8: {  	p0 =	sne.s32 s4, $0x0;
	s4 =	simm.s32 $0xD;
	_ =	strace $0x8000004A  }
0x9: {  	s7 =	smul.u32 $0x14000, s5;
	s5 =	ssub.s32 $0x2, s5;
	[dreg:$0x4] =	wrdreg s9  }
0xa: {  	s13 =	sshrl.u32 @!p0 s1, $0x3;
	s9 =	simm.s32 $0x7;
	s8 =	sadd.s32 s6, s3  }
0xb: {  	s17 =	sshrl.u32 s5, $0x1;
	s0 =	sadd.s32 s0, s6;
	[dreg:$0xf] =	wrdreg s13  }
0xc: {  	s3 =	sadd.s32 s7, s3;
	[dreg:$0x5] =	wrdreg s0;
	s19 =	sadd.s32 $0x1610, s8  }
0xd: {  	s18 =	ssub.s32 s5, s17;
	s20 =	sadd.s32 $0x1620, s8;
	[dreg:$0x6] =	wrdreg s19  }
0xe: {  	s5 =	sadd.s32 $0x1600, s8;
	s21 =	sadd.s32 $0x1630, s8;
	[dreg:$0x7] =	wrdreg s20  }
0xf: {  	s22 =	sadd.s32 $0x1640, s8;
	s23 =	sadd.s32 $0x1650, s8;
	[dreg:$0x8] =	wrdreg s21  }
0x10: {  	s24 =	sadd.s32 $0x1660, s8;
	s25 =	sadd.s32 $0x1670, s8;
	[dreg:$0x9] =	wrdreg s22  }
0x11: {  	s17 =	simm.s32 $0x11;
	s7 =	simm.s32 $0x5;
	[dreg:$0xa] =	wrdreg s23  }
.Ltmp0:
0x12: {  	s8 =	simm.s32 $0xF;
	[dreg:$0xb] =	wrdreg s24;
	(pc) =	sbr.rel .LBB2_1-.Ltmp0, $4  }
0x13: {  	s6 =	sadd.s32 $0xB600, s3;
	[dreg:$0xc] =	wrdreg s25;
	s26 =	sadd.s32 $0x47600, s3  }
0x14: {  	s30 =	smax.u32 s18, $0x1;
	s19 =	simm.s32 $0x80;
	s22 =	simm.s32 $0x13400  }
0x15: {  	s24 =	simm.s32 $0x9;
	s21 =	simm.s32 $0xB;
	[dreg:$0xd] =	wrdreg s26  }
0x16: {  	s3 =	simm.s32 $0x3;
	[dreg:$0xe] =	wrdreg s30;
	s26 =	simm.s32 $0x5300  }
.LBB2_4:
0x17: {  	_ =	swait.ge [sflag:s10], $0x80  }
0x18: {  	[sflag:s10] =	ssyncset.done $0x0  }
0x19: {  	[sflag:s10] =	ssyncadd.s32 $0xFFFFFF80  }
0x1a: {  	_ =	swait.ge [sflag:s11], $0x2000  }
0x1b: {  	[sflag:s11] =	ssyncset.done $0x0  }
0x1c: {  	[sflag:s11] =	ssyncadd.s32 $0xFFFFE000  }
0x1d: {  	[spmem:s1] =	stream.indirect.scatter.add.f32 [tilespmem:s22], [sflag:$0x11], $0x40, s31, s19, $0xb8;
	[tilespmem:$0x1F400] =	vst v63  }
0x1e: {  	_ =	swait.ge [sflag:s17], $0x2000  }
0x1f: {  	[sflag:s17] =	ssyncset.done $0x0  }
0x20: {  	[sflag:s17] =	ssyncadd.s32 $0xFFFFE000  }
0x21: {  	[bflag:$0x0] =	sbarrier.arrive $0xFFFF  }
0x22: {  	s12 =	rddreg [dreg:$0xd]  }
0x23: {  	s0 =	simm.s32 @!p0 $0x1C11;
	s13 =	rddreg [dreg:$0xf]  }
0x24: {  	[hbm:s12], [sflag:s0] =	dma.local @!p0 [spmem:s13], $0x14000  }
0x25: {  	s0 =	simm.s32 @!p0 $0x11  }
0x26: {  	_ =	swait.ge @!p0 [sflag:s0], $0x14000  }
0x27: {  	s14 =	rddreg [dreg:$0x10]  }
0x28: {  	s30 =	rddreg [dreg:$0xe];
	s14 =	sadd.s32 $0x1, s14  }
0x29: {  	p1 =	sne.s32 s14, s30  }
.Ltmp1:
0x2a: {  	_ = 	snop;
	(pc) =	sbr.rel @!p1 .LBB2_5-.Ltmp1, $3  }
0x2b: {  	_ =	sdelay $0x1  }
0x2c: {  	[sflag:s0] =	ssyncset.done @!p0 $0x0  }
0x2d: {  	[sflag:s0] =	ssyncadd.s32 @!p0 $0xFFFEC000  }
.LBB2_1:
0x2e: {  	[dreg:$0x10] =	wrdreg s14  }
0x2f: {  	s12 =	simm.s32 @!p0 $0x1C11;
	s0 =	rddreg [dreg:$0x4]  }
0x30: {  	[spmem:s13], [sflag:s12] =	dma.local @!p0 [hbm:s0], $0x14000  }
0x31: {  	s12 =	simm.s32 @!p0 $0x11  }
0x32: {  	_ =	swait.ge @!p0 [sflag:s12], $0x14000  }
0x33: {  	[sflag:s12] =	ssyncset.done @!p0 $0x0  }
0x34: {  	[sflag:s12] =	ssyncadd.s32 @!p0 $0xFFFEC000  }
0x35: {  	[bflag:$0x0] =	sbarrier.arrive $0xFFFF  }
0x36: {  	s16 =	rddreg [dreg:$0x5]  }
0x37: {  	[tilespmem:s2], [sflag:$0x11] =	stream.linear.gather [hbm4b:s16+s2], $0x5000, $0x38;
	[tilespmem:$0x1F400] =	vst v63  }
0x38: {  	_ =	swait.ge [sflag:s17], $0x5000  }
0x39: {  	[sflag:s17] =	ssyncset.done $0x0  }
0x3a: {  	s18 =	simm.s32 $0x5000;
	[sflag:s17] =	ssyncadd.s32 $0xFFFFB000  }
0x3b: {  	[tilespmem:s18], [sflag:$0x9] =	stream.linear.gather [hbm4b:s5+s2], $0x80, $0x38;
	[tilespmem:$0x1F400] =	vst v63  }
0x3c: {  	s20 =	simm.s32 $0x5400  }
0x3d: {  	[tilespmem:s20], [sflag:$0x1] =	stream.indirect.gather [hbm4b:s6+s19], $0x40, s2, s19, $0xb8;
	[tilespmem:$0x1F400] =	vst v63  }
0x3e: {  	s25 =	simm.s32 $0x5080;
	s23 =	rddreg [dreg:$0x6]  }
0x3f: {  	[tilespmem:s25], [sflag:$0xA] =	stream.linear.gather [hbm4b:s23+s2], $0x80, $0x38;
	[tilespmem:$0x1F400] =	vst v63  }
0x40: {  	s30 =	simm.s32 $0x7400  }
0x41: {  	[tilespmem:s30], [sflag:$0x2] =	stream.indirect.gather [hbm4b:s6+s19], $0x40, s19, s19, $0xb8;
	[tilespmem:$0x1F400] =	vst v63  }
0x42: {  	s13 =	simm.s32 $0x5100;
	s12 =	rddreg [dreg:$0x7]  }
0x43: {  	[tilespmem:s13], [sflag:$0xB] =	stream.linear.gather [hbm4b:s12+s2], $0x80, $0x38;
	[tilespmem:$0x1F400] =	vst v63  }
0x44: {  	s14 =	simm.s32 $0x100;
	s15 =	simm.s32 $0x9400  }
0x45: {  	[tilespmem:s15], [sflag:$0x3] =	stream.indirect.gather [hbm4b:s6+s19], $0x40, s14, s19, $0xb8;
	[tilespmem:$0x1F400] =	vst v63  }
0x46: {  	s16 =	rddreg [dreg:$0x8];
	s18 =	simm.s32 $0x5180  }
0x47: {  	[tilespmem:s18], [sflag:$0xC] =	stream.linear.gather [hbm4b:s16+s2], $0x80, $0x38;
	[tilespmem:$0x1F400] =	vst v63  }
0x48: {  	s20 =	simm.s32 $0x180;
	s23 =	simm.s32 $0xB400  }
0x49: {  	[tilespmem:s23], [sflag:$0x4] =	stream.indirect.gather [hbm4b:s6+s19], $0x40, s20, s19, $0xb8;
	[tilespmem:$0x1F400] =	vst v63  }
0x4a: {  	s25 =	rddreg [dreg:$0x9];
	s30 =	simm.s32 $0x5200  }
0x4b: {  	[tilespmem:s30], [sflag:$0xD] =	stream.linear.gather [hbm4b:s25+s2], $0x80, $0x38;
	[tilespmem:$0x1F400] =	vst v63  }
0x4c: {  	s12 =	simm.s32 $0x200;
	s13 =	simm.s32 $0xD400  }
0x4d: {  	[tilespmem:s13], [sflag:$0x5] =	stream.indirect.gather [hbm4b:s6+s19], $0x40, s12, s19, $0xb8;
	[tilespmem:$0x1F400] =	vst v63  }
0x4e: {  	s14 =	rddreg [dreg:$0xa];
	s15 =	simm.s32 $0x5280  }
0x4f: {  	[tilespmem:s15], [sflag:$0xE] =	stream.linear.gather [hbm4b:s14+s2], $0x80, $0x38;
	[tilespmem:$0x1F400] =	vst v63  }
0x50: {  	s16 =	simm.s32 $0x280;
	s18 =	simm.s32 $0xF400  }
0x51: {  	[tilespmem:s18], [sflag:$0x6] =	stream.indirect.gather [hbm4b:s6+s19], $0x40, s16, s19, $0xb8;
	[tilespmem:$0x1F400] =	vst v63  }
0x52: {  	s20 =	rddreg [dreg:$0xb]  }
0x53: {  	[tilespmem:s26], [sflag:$0xF] =	stream.linear.gather [hbm4b:s20+s2], $0x80, $0x38;
	[tilespmem:$0x1F400] =	vst v63  }
0x54: {  	s23 =	simm.s32 $0x300  }
0x55: {  	[tilespmem:s29], [sflag:$0x7] =	stream.indirect.gather [hbm4b:s6+s19], $0x40, s23, s19, $0xb8;
	[tilespmem:$0x1F400] =	vst v63  }
0x56: {  	s25 =	rddreg [dreg:$0xc]  }
0x57: {  	[tilespmem:s31], [sflag:$0x10] =	stream.linear.gather [hbm4b:s25+s2], $0x80, $0x38;
	[tilespmem:$0x1F400] =	vst v63  }
0x58: {  	s30 =	simm.s32 $0x380;
	s13 =	simm.s32 $0x400;
	s14 =	simm.s32 $0x0  }
0x59: {  	[tilespmem:s22], [sflag:$0x8] =	stream.indirect.gather [hbm4b:s6+s19], $0x40, s30, s19, $0xb8;
	[tilespmem:$0x1F400] =	vst v63  }
.LBB2_2:
0x5a: {  	_ =	swait.ge [sflag:s24], $0x80  }
0x5b: {  	[sflag:s24] =	ssyncset.done $0x0  }
0x5c: {  	[sflag:s24] =	ssyncadd.s32 $0xFFFFFF80  }
0x5d: {  	_ =	swait.ge [sflag:s28], $0x2000  }
0x5e: {  	[sflag:s28] =	ssyncset.done $0x0  }
0x5f: {  	s0 =	simm.s32 $0x5000;
	s12 =	simm.s32 $0x5400;
	[sflag:s28] =	ssyncadd.s32 $0xFFFFE000  }
0x60: {  	[spmem:s1] =	stream.indirect.scatter.add.f32 [tilespmem:s12], [sflag:$0x11], $0x40, s0, s19, $0xb8;
	[tilespmem:$0x1F400] =	vst v63  }
0x61: {  	_ =	swait.ge [sflag:s17], $0x2000  }
0x62: {  	p1 =	seq.s32 s14, $0x980;
	[sflag:s17] =	ssyncset.done $0x0  }
0x63: {  	s12 =	simm.s32 @p1 $0xA;
	[sflag:s17] =	ssyncadd.s32 $0xFFFFE000  }
0x64: {  	_ =	swait.ge @p1 [sflag:s12], $0x80  }
0x65: {  	[sflag:s12] =	ssyncset.done @p1 $0x0  }
0x66: {  	[sflag:s12] =	ssyncadd.s32 @p1 $0xFFFFFF80;
	s12 =	simm.s32 @p1 $0x2  }
0x67: {  	_ =	swait.ge @p1 [sflag:s12], $0x2000  }
0x68: {  	s18 =	simm.s32 @p1 $0x80;
	s15 =	simm.s32 @p1 $0x7400;
	[sflag:s12] =	ssyncset.done @p1 $0x0  }
0x69: {  	s20 =	simm.s32 @p1 $0x11;
	[sflag:s12] =	ssyncadd.s32 @p1 $0xFFFFE000;
	s12 =	simm.s32 @p1 $0x5080  }
0x6a: {  	[spmem:s1] =	stream.indirect.scatter.add.f32 @p1 [tilespmem:s15], [sflag:$0x11], $0x40, s12, s18, $0xb8;
	[tilespmem:$0x1F400] =	vst v63  }
0x6b: {  	_ =	swait.ge @p1 [sflag:s20], $0x2000  }
0x6c: {  	s16 =	simm.s32 @!p1 $0x0;
	s15 =	sadd.s32 @!p1 s14, s5;
	[sflag:s20] =	ssyncset.done @p1 $0x0  }
0x6d: {  	s23 =	simm.s32 @!p1 $0x5000;
	s12 =	sadd.s32 @!p1 $0x80, s15;
	[sflag:s20] =	ssyncadd.s32 @p1 $0xFFFFE000  }
0x6e: {  	[tilespmem:s23], [sflag:$0x9] =	stream.linear.gather @!p1 [hbm4b:s12+s16], $0x80, $0x38;
	[tilespmem:$0x1F400] =	vst v63  }
0x6f: {  	s12 =	simm.s32 @!p1 $0x80;
	s23 =	simm.s32 @!p1 $0x5400  }
0x70: {  	[tilespmem:s23], [sflag:$0x1] =	stream.indirect.gather @!p1 [hbm4b:s6+s12], $0x40, s13, s12, $0xb8;
	[tilespmem:$0x1F400] =	vst v63  }
0x71: {  	s23 =	simm.s32 @!p1 $0xA  }
0x72: {  	_ =	swait.ge @!p1 [sflag:s23], $0x80  }
0x73: {  	[sflag:s23] =	ssyncset.done @!p1 $0x0  }
0x74: {  	[sflag:s23] =	ssyncadd.s32 @!p1 $0xFFFFFF80;
	s23 =	simm.s32 @!p1 $0x2  }
0x75: {  	_ =	swait.ge @!p1 [sflag:s23], $0x2000  }
0x76: {  	s25 =	simm.s32 @!p1 $0x5080;
	[sflag:s23] =	ssyncset.done @!p1 $0x0  }
0x77: {  	s30 =	simm.s32 @!p1 $0x7400;
	[sflag:s23] =	ssyncadd.s32 @!p1 $0xFFFFE000;
	s23 =	simm.s32 @!p1 $0x11  }
0x78: {  	[spmem:s1] =	stream.indirect.scatter.add.f32 @!p1 [tilespmem:s30], [sflag:$0x11], $0x40, s25, s12, $0xb8;
	[tilespmem:$0x1F400] =	vst v63  }
0x79: {  	_ =	swait.ge @!p1 [sflag:s23], $0x2000  }
0x7a: {  	[sflag:s23] =	ssyncset.done @!p1 $0x0  }
0x7b: {  	s0 =	sadd.s32 @!p1 $0x90, s15;
	[sflag:s23] =	ssyncadd.s32 @!p1 $0xFFFFE000  }
0x7c: {  	[tilespmem:s25], [sflag:$0xA] =	stream.linear.gather @!p1 [hbm4b:s0+s16], $0x80, $0x38;
	[tilespmem:$0x1F400] =	vst v63  }
0x7d: {  	s0 =	sadd.s32 @!p1 $0x80, s13  }
0x7e: {  	[tilespmem:s30], [sflag:$0x2] =	stream.indirect.gather @!p1 [hbm4b:s6+s12], $0x40, s0, s12, $0xb8;
	[tilespmem:$0x1F400] =	vst v63  }
0x7f: {  	_ =	swait.ge [sflag:s21], $0x80  }
0x80: {  	[sflag:s21] =	ssyncset.done $0x0  }
0x81: {  	[sflag:s21] =	ssyncadd.s32 $0xFFFFFF80  }
0x82: {  	_ =	swait.ge [sflag:s3], $0x2000  }
0x83: {  	[sflag:s3] =	ssyncset.done $0x0  }
0x84: {  	s25 =	simm.s32 $0x5100;
	s30 =	simm.s32 $0x9400;
	[sflag:s3] =	ssyncadd.s32 $0xFFFFE000  }
0x85: {  	[spmem:s1] =	stream.indirect.scatter.add.f32 [tilespmem:s30], [sflag:$0x11], $0x40, s25, s19, $0xb8;
	[tilespmem:$0x1F400] =	vst v63  }
0x86: {  	_ =	swait.ge [sflag:s17], $0x2000  }
0x87: {  	[sflag:s17] =	ssyncset.done $0x0  }
0x88: {  	s0 =	simm.s32 @p1 $0xC;
	[sflag:s17] =	ssyncadd.s32 $0xFFFFE000  }
0x89: {  	_ =	swait.ge @p1 [sflag:s0], $0x80  }
0x8a: {  	[sflag:s0] =	ssyncset.done @p1 $0x0  }
0x8b: {  	[sflag:s0] =	ssyncadd.s32 @p1 $0xFFFFFF80;
	s0 =	simm.s32 @p1 $0x4  }
0x8c: {  	_ =	swait.ge @p1 [sflag:s0], $0x2000  }
0x8d: {  	[sflag:s0] =	ssyncset.done @p1 $0x0  }
0x8e: {  	s25 =	simm.s32 @p1 $0xB400;
	[sflag:s0] =	ssyncadd.s32 @p1 $0xFFFFE000;
	s0 =	simm.s32 @p1 $0x5180  }
0x8f: {  	[spmem:s1] =	stream.indirect.scatter.add.f32 @p1 [tilespmem:s25], [sflag:$0x11], $0x40, s0, s18, $0xb8;
	[tilespmem:$0x1F400] =	vst v63  }
0x90: {  	_ =	swait.ge @p1 [sflag:s20], $0x2000  }
0x91: {  	[sflag:s20] =	ssyncset.done @p1 $0x0  }
0x92: {  	s0 =	sadd.s32 @!p1 $0xA0, s15;
	s25 =	simm.s32 @!p1 $0x5100;
	[sflag:s20] =	ssyncadd.s32 @p1 $0xFFFFE000  }
0x93: {  	[tilespmem:s25], [sflag:$0xB] =	stream.linear.gather @!p1 [hbm4b:s0+s16], $0x80, $0x38;
	[tilespmem:$0x1F400] =	vst v63  }
0x94: {  	s0 =	sadd.s32 @!p1 $0x100, s13;
	s25 =	simm.s32 @!p1 $0x9400  }
0x95: {  	[tilespmem:s25], [sflag:$0x3] =	stream.indirect.gather @!p1 [hbm4b:s6+s12], $0x40, s0, s12, $0xb8;
	[tilespmem:$0x1F400] =	vst v63  }
0x96: {  	s0 =	simm.s32 @!p1 $0xC  }
0x97: {  	_ =	swait.ge @!p1 [sflag:s0], $0x80  }
0x98: {  	[sflag:s0] =	ssyncset.done @!p1 $0x0  }
0x99: {  	[sflag:s0] =	ssyncadd.s32 @!p1 $0xFFFFFF80;
	s0 =	simm.s32 @!p1 $0x4  }
0x9a: {  	_ =	swait.ge @!p1 [sflag:s0], $0x2000  }
0x9b: {  	[sflag:s0] =	ssyncset.done @!p1 $0x0  }
0x9c: {  	s25 =	simm.s32 @!p1 $0xB400;
	[sflag:s0] =	ssyncadd.s32 @!p1 $0xFFFFE000;
	s0 =	simm.s32 @!p1 $0x5180  }
0x9d: {  	[spmem:s1] =	stream.indirect.scatter.add.f32 @!p1 [tilespmem:s25], [sflag:$0x11], $0x40, s0, s12, $0xb8;
	[tilespmem:$0x1F400] =	vst v63  }
0x9e: {  	_ =	swait.ge @!p1 [sflag:s23], $0x2000  }
0x9f: {  	[sflag:s23] =	ssyncset.done @!p1 $0x0  }
0xa0: {  	s30 =	sadd.s32 @!p1 $0xB0, s15;
	[sflag:s23] =	ssyncadd.s32 @!p1 $0xFFFFE000  }
0xa1: {  	[tilespmem:s0], [sflag:$0xC] =	stream.linear.gather @!p1 [hbm4b:s30+s16], $0x80, $0x38;
	[tilespmem:$0x1F400] =	vst v63  }
0xa2: {  	s0 =	sadd.s32 @!p1 $0x180, s13  }
0xa3: {  	[tilespmem:s25], [sflag:$0x4] =	stream.indirect.gather @!p1 [hbm4b:s6+s12], $0x40, s0, s12, $0xb8;
	[tilespmem:$0x1F400] =	vst v63  }
0xa4: {  	_ =	swait.ge [sflag:s4], $0x80  }
0xa5: {  	[sflag:s4] =	ssyncset.done $0x0  }
0xa6: {  	[sflag:s4] =	ssyncadd.s32 $0xFFFFFF80  }
0xa7: {  	_ =	swait.ge [sflag:s7], $0x2000  }
0xa8: {  	[sflag:s7] =	ssyncset.done $0x0  }
0xa9: {  	s30 =	simm.s32 $0xD400;
	s25 =	simm.s32 $0x5200;
	[sflag:s7] =	ssyncadd.s32 $0xFFFFE000  }
0xaa: {  	[spmem:s1] =	stream.indirect.scatter.add.f32 [tilespmem:s30], [sflag:$0x11], $0x40, s25, s19, $0xb8;
	[tilespmem:$0x1F400] =	vst v63  }
0xab: {  	_ =	swait.ge [sflag:s17], $0x2000  }
0xac: {  	[sflag:s17] =	ssyncset.done $0x0  }
0xad: {  	s0 =	simm.s32 @p1 $0xE;
	[sflag:s17] =	ssyncadd.s32 $0xFFFFE000  }
0xae: {  	_ =	swait.ge @p1 [sflag:s0], $0x80  }
0xaf: {  	[sflag:s0] =	ssyncset.done @p1 $0x0  }
0xb0: {  	[sflag:s0] =	ssyncadd.s32 @p1 $0xFFFFFF80;
	s0 =	simm.s32 @p1 $0x6  }
0xb1: {  	_ =	swait.ge @p1 [sflag:s0], $0x2000  }
0xb2: {  	[sflag:s0] =	ssyncset.done @p1 $0x0  }
0xb3: {  	s25 =	simm.s32 @p1 $0xF400;
	[sflag:s0] =	ssyncadd.s32 @p1 $0xFFFFE000;
	s0 =	simm.s32 @p1 $0x5280  }
0xb4: {  	[spmem:s1] =	stream.indirect.scatter.add.f32 @p1 [tilespmem:s25], [sflag:$0x11], $0x40, s0, s18, $0xb8;
	[tilespmem:$0x1F400] =	vst v63  }
0xb5: {  	_ =	swait.ge @p1 [sflag:s20], $0x2000  }
0xb6: {  	[sflag:s20] =	ssyncset.done @p1 $0x0  }
0xb7: {  	s0 =	sadd.s32 @!p1 $0xC0, s15;
	s18 =	simm.s32 @!p1 $0x5200;
	[sflag:s20] =	ssyncadd.s32 @p1 $0xFFFFE000  }
0xb8: {  	[tilespmem:s18], [sflag:$0xD] =	stream.linear.gather @!p1 [hbm4b:s0+s16], $0x80, $0x38;
	[tilespmem:$0x1F400] =	vst v63  }
0xb9: {  	s0 =	sadd.s32 @!p1 $0x200, s13;
	s18 =	simm.s32 @!p1 $0xD400  }
0xba: {  	[tilespmem:s18], [sflag:$0x5] =	stream.indirect.gather @!p1 [hbm4b:s6+s12], $0x40, s0, s12, $0xb8;
	[tilespmem:$0x1F400] =	vst v63  }
0xbb: {  	s0 =	simm.s32 @!p1 $0xE  }
0xbc: {  	_ =	swait.ge @!p1 [sflag:s0], $0x80  }
0xbd: {  	[sflag:s0] =	ssyncset.done @!p1 $0x0  }
0xbe: {  	[sflag:s0] =	ssyncadd.s32 @!p1 $0xFFFFFF80;
	s0 =	simm.s32 @!p1 $0x6  }
0xbf: {  	_ =	swait.ge @!p1 [sflag:s0], $0x2000  }
0xc0: {  	[sflag:s0] =	ssyncset.done @!p1 $0x0  }
0xc1: {  	s18 =	simm.s32 @!p1 $0xF400;
	[sflag:s0] =	ssyncadd.s32 @!p1 $0xFFFFE000;
	s0 =	simm.s32 @!p1 $0x5280  }
0xc2: {  	[spmem:s1] =	stream.indirect.scatter.add.f32 @!p1 [tilespmem:s18], [sflag:$0x11], $0x40, s0, s12, $0xb8;
	[tilespmem:$0x1F400] =	vst v63  }
0xc3: {  	_ =	swait.ge @!p1 [sflag:s23], $0x2000  }
0xc4: {  	[sflag:s23] =	ssyncset.done @!p1 $0x0  }
0xc5: {  	s15 =	sadd.s32 @!p1 $0xD0, s15;
	[sflag:s23] =	ssyncadd.s32 @!p1 $0xFFFFE000  }
0xc6: {  	[tilespmem:s0], [sflag:$0xE] =	stream.linear.gather @!p1 [hbm4b:s15+s16], $0x80, $0x38;
	[tilespmem:$0x1F400] =	vst v63  }
0xc7: {  	s0 =	sadd.s32 @!p1 $0x280, s13  }
0xc8: {  	[tilespmem:s18], [sflag:$0x6] =	stream.indirect.gather @!p1 [hbm4b:s6+s12], $0x40, s0, s12, $0xb8;
	[tilespmem:$0x1F400] =	vst v63  }
0xc9: {  	_ =	swait.ge [sflag:s8], $0x80  }
0xca: {  	[sflag:s8] =	ssyncset.done $0x0  }
0xcb: {  	[sflag:s8] =	ssyncadd.s32 $0xFFFFFF80  }
0xcc: {  	_ =	swait.ge [sflag:s9], $0x2000  }
0xcd: {  	[sflag:s9] =	ssyncset.done $0x0  }
.Ltmp2:
0xce: {  	[sflag:s9] =	ssyncadd.s32 $0xFFFFE000;
	(pc) =	sbr.rel @p1 .LBB2_4-.Ltmp2, $4  }
0xcf: {  	[spmem:s1] =	stream.indirect.scatter.add.f32 [tilespmem:s29], [sflag:$0x11], $0x40, s26, s19, $0xb8;
	[tilespmem:$0x1F400] =	vst v63  }
0xd0: {  	_ =	swait.ge [sflag:s17], $0x2000  }
0xd1: {  	[sflag:s17] =	ssyncset.done $0x0  }
0xd2: {  	[sflag:s17] =	ssyncadd.s32 $0xFFFFE000  }
0xd3: {  	s0 =	sadd.s32 s14, s5  }
0xd4: {  	s12 =	sadd.s32 $0xE0, s0  }
0xd5: {  	[tilespmem:s26], [sflag:$0xF] =	stream.linear.gather [hbm4b:s12+s2], $0x80, $0x38;
	[tilespmem:$0x1F400] =	vst v63  }
0xd6: {  	s25 =	sadd.s32 $0x300, s13  }
0xd7: {  	[tilespmem:s29], [sflag:$0x7] =	stream.indirect.gather [hbm4b:s6+s19], $0x40, s25, s19, $0xb8;
	[tilespmem:$0x1F400] =	vst v63  }
0xd8: {  	_ =	swait.ge [sflag:s10], $0x80  }
0xd9: {  	[sflag:s10] =	ssyncset.done $0x0  }
0xda: {  	[sflag:s10] =	ssyncadd.s32 $0xFFFFFF80  }
0xdb: {  	_ =	swait.ge [sflag:s11], $0x2000  }
0xdc: {  	[sflag:s11] =	ssyncset.done $0x0  }
0xdd: {  	[sflag:s11] =	ssyncadd.s32 $0xFFFFE000  }
0xde: {  	[spmem:s1] =	stream.indirect.scatter.add.f32 [tilespmem:s22], [sflag:$0x11], $0x40, s31, s19, $0xb8;
	[tilespmem:$0x1F400] =	vst v63  }
0xdf: {  	_ =	swait.ge [sflag:s17], $0x2000  }
.Ltmp3:
0xe0: {  	[sflag:s17] =	ssyncset.done $0x0;
	(pc) =	sbr.rel .LBB2_2-.Ltmp3, $4  }
0xe1: {  	s0 =	sadd.s32 $0xF0, s0;
	[sflag:s17] =	ssyncadd.s32 $0xFFFFE000  }
0xe2: {  	[tilespmem:s31], [sflag:$0x10] =	stream.linear.gather [hbm4b:s0+s2], $0x80, $0x38;
	[tilespmem:$0x1F400] =	vst v63  }
0xe3: {  	s30 =	sadd.s32 $0x380, s13;
	s14 =	sadd.s32 $0x80, s14;
	s13 =	sadd.s32 $0x400, s13  }
0xe4: {  	[tilespmem:s22], [sflag:$0x8] =	stream.indirect.gather [hbm4b:s6+s19], $0x40, s30, s19, $0xb8;
	[tilespmem:$0x1F400] =	vst v63  }
.LBB2_5:
0xe5: {  	_ =	sfence.sel $0x180000  }
0xe6: {  	[bflag:$0x0] =	sbarrier.arrive $0xFFFF  }
0xe7: {  	_ =	strace $0x9000004A  }
0xe8: {  	[bflag:$0x2] =	sbarrier.arrive $0xFFFF  }
0xe9: {  	s0 =	rddreg [dreg:$0x3]  }
0xea: {  	s0 =	sadd.s32 @!p0 $0x100000, s0  }
0xeb: {  	[sflag:s0] =	ssyncadd.tile.s32 @!p0 $0x1;
	_ =	shalt  }
.Lfunc_end2:
_tile_overlayer_lowered:
.L_overlay_start_2:
0xec: {  	(tag) =	ssettag $0x2  }
0xed: {  	s0 =	rddreg [dreg:$0x0];
	s2 =	stileid.u32  }
0xee: {  	s1 =	rddreg [dreg:$0x1];
	p0 =	sne.s32 s2, $0x0  }
0xef: {  	s3 =	rddreg [dreg:$0x2];
	[bflag:$0x3] =	sbarrier.arrive $0xFFFF;
	s2 =	simm.s32 @!p0 $0x1C11  }
0xf0: {  	[timem:s3], [sflag:s2] =	dma.local @!p0 [hbm:s0], s1  }
0xf1: {  	s0 =	simm.s32 @!p0 $0x11  }
0xf2: {  	_ =	swait.ge @!p0 [sflag:s0], s1  }
0xf3: {  	s1 =	ssub.s32 @!p0 $0x0, s1;
	[sflag:s0] =	ssyncset.done @!p0 $0x0  }
0xf4: {  	[sflag:s0] =	ssyncadd.s32 @!p0 s1  }
0xf5: {  	[bflag:$0x3] =	sbarrier.arrive $0xFFFF  }
0xf6: {  	_ =	shalt  }

</sc_bundles>
